<compile_context>
chip_gen: v7x
topology: tpu7x:2x2x1
jax: 0.10.2.dev20260603
libtpu: 0.0.44.dev20260713+nightly
codegen_flags: <defaults>
</compile_context>

<pallas_src>
import functools

import jax
import jax.numpy as jnp
import numpy as np
from jax import lax
from jax.experimental import pallas as pl
from jax.experimental.pallas import tpu as pltpu
from jax.experimental.pallas import tpu_sc as plsc

B = 8
NPB = 4096
D = 64
S = 2048
K = 64
R2 = np.float32(0.2 * 0.2)
DOUT = 128

NW = 32
CPW = (B * S) // NW
IDXBUF = 128
BLK = 64


def _fps_body(px_ref, py_ref, pz_ref, sel_ref, cx_ref, cy_ref, cz_ref):
    px = px_ref[...]
    py = py_ref[...]
    pz = pz_ref[...]
    i32 = jnp.int32
    r = lax.broadcasted_iota(i32, (B, 32, 128), 1)
    l = lax.broadcasted_iota(i32, (B, 32, 128), 2)
    pt_iota = r * 128 + l
    rs = lax.broadcasted_iota(i32, (B, 16, 128), 1)
    ls = lax.broadcasted_iota(i32, (B, 16, 128), 2)
    sel_iota = rs * 128 + ls

    d0 = jnp.full((B, 32, 128), jnp.inf, jnp.float32)
    arg0 = jnp.zeros((B, 1, 1), i32)
    sel0 = jnp.zeros((B, 16, 128), i32)
    c0 = jnp.zeros((B, 16, 128), jnp.float32)

    def body(i, st):
        arg_prev, d, sel, cx, cy, cz = st
        onehot = pt_iota == arg_prev
        cxs = jnp.sum(jnp.where(onehot, px, 0.0), axis=(1, 2), keepdims=True)
        cys = jnp.sum(jnp.where(onehot, py, 0.0), axis=(1, 2), keepdims=True)
        czs = jnp.sum(jnp.where(onehot, pz, 0.0), axis=(1, 2), keepdims=True)
        wm = sel_iota == (i - 1)
        cx = jnp.where(wm, cxs, cx)
        cy = jnp.where(wm, cys, cy)
        cz = jnp.where(wm, czs, cz)
        dx = px - cxs
        dy = py - cys
        dz = pz - czs
        dd = dx * dx + dy * dy + dz * dz
        d = jnp.minimum(d, dd)
        maxd = jnp.max(d, axis=(1, 2), keepdims=True)
        cand = jnp.where(d == maxd, pt_iota, NPB)
        arg = jnp.min(cand, axis=(1, 2), keepdims=True)
        sel = jnp.where(sel_iota == i, arg, sel)
        return arg, d, sel, cx, cy, cz

    _, _, sel, cx, cy, cz = lax.fori_loop(
        1, S + 1, body, (arg0, d0, sel0, c0, c0, c0))
    sel_ref[...] = sel
    cx_ref[...] = cx
    cy_ref[...] = cy
    cz_ref[...] = cz


def _run_fps(px, py, pz):
    out_shapes = (
        jax.ShapeDtypeStruct((B, 16, 128), jnp.int32),
        jax.ShapeDtypeStruct((B, 16, 128), jnp.float32),
        jax.ShapeDtypeStruct((B, 16, 128), jnp.float32),
        jax.ShapeDtypeStruct((B, 16, 128), jnp.float32),
    )
    return pl.pallas_call(_fps_body, out_shape=out_shapes)(px, py, pz)


def _mm_body(a_ref, w_ref, o_ref):
    o_ref[...] = jnp.dot(a_ref[...], w_ref[...],
                         preferred_element_type=jnp.float32,
                         precision=lax.Precision.HIGHEST)


def _run_mm(a, w):
    n = a.shape[0]
    tile = 1024
    grid = (n // tile,)
    return pl.pallas_call(
        _mm_body,
        grid=grid,
        in_specs=[
            pl.BlockSpec((tile, 128), lambda i: (i, 0)),
            pl.BlockSpec((128, 128), lambda i: (0, 0)),
        ],
        out_specs=pl.BlockSpec((tile, 128), lambda i: (i, 0)),
        out_shape=jax.ShapeDtypeStruct((n, 128), jnp.float32),
    )(a, w)


def _sc_body(px_hbm, py_hbm, pz_hbm, sel_hbm, cx_hbm, cy_hbm, cz_hbm,
             q_hbm, z_hbm, out_hbm,
             px_v, py_v, pz_v, sel_v, cx_v, cy_v, cz_v,
             q_v, idx_v, zbuf_v, outbuf_v, sem, gsem):
    i32 = jnp.int32
    f32 = jnp.float32
    wid = lax.axis_index("s") * 2 + lax.axis_index("c")
    cloud = wid // 4
    cbase = wid * CPW
    gbase = cloud * NPB

    pltpu.sync_copy(px_hbm.at[pl.ds(gbase, NPB)], px_v)
    pltpu.sync_copy(py_hbm.at[pl.ds(gbase, NPB)], py_v)
    pltpu.sync_copy(pz_hbm.at[pl.ds(gbase, NPB)], pz_v)
    pltpu.sync_copy(sel_hbm.at[pl.ds(cbase, CPW)], sel_v)
    pltpu.sync_copy(cx_hbm.at[pl.ds(cbase, CPW)], cx_v)
    pltpu.sync_copy(cy_hbm.at[pl.ds(cbase, CPW)], cy_v)
    pltpu.sync_copy(cz_hbm.at[pl.ds(cbase, CPW)], cz_v)

    lane = lax.broadcasted_iota(i32, (16,), 0)
    neg_inf = jnp.full((16,), -jnp.inf, f32)

    def _splat(v, t):
        tv = jnp.full((16,), t, i32)
        scalar = jnp.sum(jnp.where(lane == tv, v, jnp.zeros((16,), v.dtype)),
                         axis=0)
        return jnp.full((16,), scalar, v.dtype)

    gbase_v = jnp.full((16,), gbase, i32)

    def selection(sw, p):
        g = sw // 16
        t = sw - g * 16
        selv = _splat(sel_v[pl.ds(g * 16, 16)], t)
        cxv = _splat(cx_v[pl.ds(g * 16, 16)], t)
        cyv = _splat(cy_v[pl.ds(g * 16, 16)], t)
        czv = _splat(cz_v[pl.ds(g * 16, 16)], t)
        safe = selv + gbase_v
        for tt in range(IDXBUF // 16):
            idx_v[p, pl.ds(tt * 16, 16)] = safe

        def cond(st):
            gc, offs, _off = st
            return (gc < NPB // 64) & (offs < K)

        def group(st):
            gc, offs, off = st
            base = gc * 64
            for u in range(4):
                pxc = px_v[pl.ds(base + u * 16, 16)]
                pyc = py_v[pl.ds(base + u * 16, 16)]
                pzc = pz_v[pl.ds(base + u * 16, 16)]
                jidxg = jnp.full((16,), gbase + base + u * 16, i32) + lane
                dx = pxc - cxv
                dy = pyc - cyv
                dz = pzc - czv
                d2 = dx * dx + dy * dy + dz * dz
                m = (d2 <= R2) & (jidxg != safe)
                incl = plsc.cumsum(m.astype(i32))
                posn = off + incl - 1
                plsc.store_scatter(idx_v.at[p], [posn], jidxg, mask=m)
                off = off + plsc.all_reduce_population_count(m)
            return (gc + 1, jnp.max(off), off)

        _, offs, _ = lax.while_loop(
            cond, group, (0, 0, jnp.zeros((16,), i32)))
        return jnp.minimum(offs, K)

    def start_gather(p):
        return pltpu.async_copy(z_hbm.at[idx_v.at[p, pl.ds(0, K)]],
                                zbuf_v.at[p], gsem)

    def wait_gather(p):
        pltpu.make_async_copy(z_hbm.at[idx_v.at[p, pl.ds(0, K)]],
                              zbuf_v.at[p], gsem).wait()

    def do_max(s, pm, nr):
        def row_body(rr, accs):
            return tuple(
                jnp.maximum(a, zbuf_v[pm, rr, pl.ds(kk * 16, 16)])
                for kk, a in enumerate(accs))

        accs = lax.fori_loop(0, nr, row_body, (neg_inf,) * 8)
        for kk in range(8):
            res = jnp.maximum(accs[kk] - q_v[s, pl.ds(kk * 16, 16)], 0.0)
            outbuf_v[s, pl.ds(kk * 16, 16)] = res

    def block_body(b, _):
        pltpu.sync_copy(q_hbm.at[pl.ds(cbase + b * BLK, BLK)], q_v)
        nr0 = selection(b * BLK, 0)
        start_gather(0)

        def pipe(s, nr_prev):
            p = s % 2
            pm = 1 - p
            nr = selection(b * BLK + s, p)
            wait_gather(pm)
            start_gather(p)
            do_max(s - 1, pm, nr_prev)
            return nr

        nr_last = lax.fori_loop(1, BLK, pipe, nr0)
        pl_last = (BLK - 1) % 2
        wait_gather(pl_last)
        do_max(BLK - 1, pl_last, nr_last)
        pltpu.sync_copy(outbuf_v, out_hbm.at[pl.ds(cbase + b * BLK, BLK)])
        return 0

    lax.fori_loop(0, CPW // BLK, block_body, 0)


def _run_sc(px, py, pz, sel, cx, cy, cz, q, z):
    mesh = plsc.VectorSubcoreMesh(core_axis_name="c", subcore_axis_name="s")
    kfn = pl.kernel(
        _sc_body,
        out_type=jax.ShapeDtypeStruct((B * S, DOUT), jnp.float32),
        mesh=mesh,
        compiler_params=pltpu.CompilerParams(needs_layout_passes=False),
        scratch_types=[
            pltpu.VMEM((NPB,), jnp.float32),
            pltpu.VMEM((NPB,), jnp.float32),
            pltpu.VMEM((NPB,), jnp.float32),
            pltpu.VMEM((CPW,), jnp.int32),
            pltpu.VMEM((CPW,), jnp.float32),
            pltpu.VMEM((CPW,), jnp.float32),
            pltpu.VMEM((CPW,), jnp.float32),
            pltpu.VMEM((BLK, DOUT), jnp.float32),
            pltpu.VMEM((2, IDXBUF), jnp.int32),
            pltpu.VMEM((2, K, DOUT), jnp.float32),
            pltpu.VMEM((BLK, DOUT), jnp.float32),
            pltpu.SemaphoreType.DMA,
            pltpu.SemaphoreType.DMA,
        ],
    )
    return kfn(px, py, pz, sel, cx, cy, cz, q, z)


def kernel(x, pos, batch, W1, b1):
    posb = pos.reshape(B, NPB, 3)
    px = posb[:, :, 0].reshape(B, 32, 128)
    py = posb[:, :, 1].reshape(B, 32, 128)
    pz = posb[:, :, 2].reshape(B, 32, 128)

    sel3, cx3, cy3, cz3 = _run_fps(px, py, pz)
    sel = sel3.reshape(B * S)
    cx = cx3.reshape(B * S)
    cy = cy3.reshape(B * S)
    cz = cz3.reshape(B * S)
    pos_i = jnp.stack([cx, cy, cz], axis=-1)

    a_z = jnp.concatenate(
        [x, pos, jnp.zeros((B * NPB, 128 - D - 3), jnp.float32)], axis=1)
    a_q = jnp.concatenate(
        [jnp.zeros((B * S, D), jnp.float32), pos_i,
         jnp.full((B * S, 1), -1.0, jnp.float32),
         jnp.zeros((B * S, 128 - D - 4), jnp.float32)], axis=1)
    a_all = jnp.concatenate([a_z, a_q], axis=0)
    w_all = jnp.concatenate(
        [W1, b1[None, :], jnp.zeros((128 - D - 4, DOUT), jnp.float32)],
        axis=0)
    zq = _run_mm(a_all, w_all)
    z = zq[:B * NPB]
    q = zq[B * NPB:]

    x_out = _run_sc(pos[:, 0], pos[:, 1], pos[:, 2],
                    sel, cx, cy, cz,
                    q, z)
    pos_out = pos_i
    batch_out = jnp.repeat(jnp.arange(B, dtype=jnp.int32), S)
    return (x_out, pos_out, batch_out)

# --- scband reference (transcript-rebuilt; emitter-appended) ---
"""Pipeline reference for scband-samodule-80272938762722 (READ-ONLY COPY).

The authoritative reference and input builder live on the scoring server;
editing this copy changes nothing except your own understanding.
"""

import jax, jax.numpy as jnp
import numpy as np

B = 8
NPB = 4096
D = 64
S = 2048
K = 64
R = 0.2
DOUT = 128


def setup_inputs(seed: int = 0):
    key = jax.random.key(seed)
    k1, k2, k3 = jax.random.split(key, 3)
    x = jax.random.normal(k1, (B * NPB, D), dtype=jnp.float32)
    pos = jax.random.uniform(k2, (B * NPB, 3), dtype=jnp.float32)
    batch = jnp.repeat(jnp.arange(B, dtype=jnp.int32), NPB)
    W1 = jax.random.normal(k3, (D + 3, DOUT), dtype=jnp.float32) * (1.0 / np.sqrt(D + 3))
    b1 = jnp.zeros((DOUT,), dtype=jnp.float32)
    return {"x": x, "pos": pos, "batch": batch, "W1": W1, "b1": b1}


def _fps(pos_b):
    # farthest point sampling of S points from pos_b [NPB, 3], deterministic start at 0
    n = pos_b.shape[0]
    sel = jnp.zeros((S,), dtype=jnp.int32)
    d = jnp.full((n,), jnp.inf, dtype=jnp.float32)

    def body(i, st):
        sel, d = st
        last = sel[i - 1]
        dd = jnp.sum((pos_b - pos_b[last]) ** 2, axis=-1)
        d = jnp.minimum(d, dd)
        sel = sel.at[i].set(jnp.argmax(d).astype(jnp.int32))
        return sel, d

    sel, _ = jax.lax.fori_loop(1, S, body, (sel, d))
    return sel


def _neighbors(pos_b, cen):
    # radius neighbors within R for centers cen (local indices), first-K by index, self excluded
    n = pos_b.shape[0]
    c = pos_b[cen]  # [S, 3]
    d2 = jnp.sum((c[:, None, :] - pos_b[None, :, :]) ** 2, axis=-1)  # [S, n]
    within = (d2 <= R * R) & (jnp.arange(n)[None, :] != cen[:, None])
    score = jnp.where(within, (n - jnp.arange(n)).astype(jnp.float32)[None, :], 0.0)
    vals, nbr = jax.lax.top_k(score, K)  # smallest indices first among in-radius points
    return nbr, vals > 0.0


def reference(x, pos, batch, W1, b1):
    posb = pos.reshape(B, NPB, 3)
    xb = x.reshape(B, NPB, D)
    sel = jax.vmap(_fps)(posb)                       # [B, S]
    nbr, valid = jax.vmap(_neighbors)(posb, sel)     # [B, S, K], [B, S, K]
    pos_i = jax.vmap(lambda p, i: p[i])(posb, sel)   # [B, S, 3]
    pos_j = jax.vmap(lambda p, i: p[i])(posb, nbr)   # [B, S, K, 3]
    x_j = jax.vmap(lambda a, i: a[i])(xb, nbr)       # [B, S, K, D]
    rel = pos_j - pos_i[:, :, None, :]
    feat = jnp.concatenate([x_j, rel], axis=-1)      # [B, S, K, D+3]
    msg = jax.nn.relu(feat @ W1 + b1)                # local_nn
    msgm = jnp.where(valid[..., None], msg, -jnp.inf)
    out = jnp.max(msgm, axis=2)                      # max aggregation (PointNetConv default)
    out = jnp.where(jnp.any(valid, axis=2)[..., None], out, 0.0)
    x_out = out.reshape(B * S, DOUT)
    pos_out = pos_i.reshape(B * S, 3)
    batch_out = jnp.repeat(jnp.arange(B, dtype=jnp.int32), S)
    return (x_out, pos_out, batch_out)

if __name__ == "__main__":
    import jax
    _d = setup_inputs()
    print(jax.jit(kernel)(*tuple(_d.values())))

</pallas_src>

<mosaic_0001>
#map = affine_map<(d0, d1) -> (0)>
#map1 = affine_map<(d0, d1) -> (0, 0)>
module attributes {stable_mosaic.version = 14 : i64} {
  func.func @_sc_body(%arg0: i32, %arg1: i32, %arg2: memref<32768xf32, #tpu.memory_space<hbm>>, %arg3: memref<32768xf32, #tpu.memory_space<hbm>>, %arg4: memref<32768xf32, #tpu.memory_space<hbm>>, %arg5: memref<16384xi32, #tpu.memory_space<hbm>>, %arg6: memref<16384xf32, #tpu.memory_space<hbm>>, %arg7: memref<16384xf32, #tpu.memory_space<hbm>>, %arg8: memref<16384xf32, #tpu.memory_space<hbm>>, %arg9: memref<16384x128xf32, #tpu.memory_space<hbm>>, %arg10: memref<32768x128xf32, #tpu.memory_space<hbm>>, %arg11: memref<16384x128xf32, #tpu.memory_space<hbm>>, %arg12: memref<4096xf32, #tpu.memory_space<vmem>>, %arg13: memref<4096xf32, #tpu.memory_space<vmem>>, %arg14: memref<4096xf32, #tpu.memory_space<vmem>>, %arg15: memref<512xi32, #tpu.memory_space<vmem>>, %arg16: memref<512xf32, #tpu.memory_space<vmem>>, %arg17: memref<512xf32, #tpu.memory_space<vmem>>, %arg18: memref<512xf32, #tpu.memory_space<vmem>>, %arg19: memref<64x128xf32, #tpu.memory_space<vmem>>, %arg20: memref<2x128xi32, #tpu.memory_space<vmem>>, %arg21: memref<2x64x128xf32, #tpu.memory_space<vmem>>, %arg22: memref<64x128xf32, #tpu.memory_space<vmem>>, %arg23: memref<!tpu.dma_semaphore, #tpu.memory_space<semaphore_mem>>, %arg24: memref<!tpu.dma_semaphore, #tpu.memory_space<semaphore_mem>>) attributes {dimension_semantics = [#tpu.dimension_semantics<core_parallel>, #tpu.dimension_semantics<subcore_parallel>], iteration_bounds = array<i64: 2, 16>, scalar_prefetch = 0 : i64, scratch_operands = 13 : i64, tpu.core_type = #tpu.core_type<sc_vector_subcore>, window_params = [{transform_indices = #map}, {transform_indices = #map}, {transform_indices = #map}, {transform_indices = #map}, {transform_indices = #map}, {transform_indices = #map}, {transform_indices = #map}, {transform_indices = #map1}, {transform_indices = #map1}, {transform_indices = #map1}]} {
    %mul3A = arith.constant 2 : i32
    %mul3A_0 = arith.muli %arg1, %mul3A : i32
    %add3A = arith.addi %mul3A_0, %arg0 : i32
    %jit3A = arith.constant 4 : i32
    %div3A = arith.divsi %add3A, %jit3A : i32
    %sign3A = arith.constant 0 : i32
    %sign3A_1 = arith.cmpi sgt, %add3A, %sign3A : i32
    %sign3A_2 = arith.extui %sign3A_1 : i1 to i32
    %sign3A_3 = arith.constant 0 : i32
    %sign3A_4 = arith.cmpi slt, %add3A, %sign3A_3 : i32
    %sign3A_5 = arith.extui %sign3A_4 : i1 to i32
    %sign3A_6 = arith.subi %sign3A_2, %sign3A_5 : i32
    %sign3A_7 = arith.constant 0 : i32
    %sign3A_8 = arith.cmpi sgt, %jit3A, %sign3A_7 : i32
    %sign3A_9 = arith.extui %sign3A_8 : i1 to i32
    %sign3A_10 = arith.constant 0 : i32
    %sign3A_11 = arith.cmpi slt, %jit3A, %sign3A_10 : i32
    %sign3A_12 = arith.extui %sign3A_11 : i1 to i32
    %sign3A_13 = arith.subi %sign3A_9, %sign3A_12 : i32
    %ne3A = arith.cmpi ne, %sign3A_6, %sign3A_13 : i32
    %rem3A = arith.remsi %add3A, %jit3A : i32
    %ne3A_14 = arith.constant 0 : i32
    %ne3A_15 = arith.cmpi ne, %rem3A, %ne3A_14 : i32
    %and3A = arith.andi %ne3A, %ne3A_15 : i1
    %sub3A = arith.constant 1 : i32
    %sub3A_16 = arith.subi %div3A, %sub3A : i32
    %select_n3A = arith.select %and3A, %sub3A_16, %div3A : i32
    %mul3A_17 = arith.constant 512 : i32
    %mul3A_18 = arith.muli %add3A, %mul3A_17 : i32
    %mul3A_19 = arith.constant 4096 : i32
    %mul3A_20 = arith.muli %select_n3A, %mul3A_19 : i32
    "tpu.region"() ({
      %run_scoped3A = tpu.sem_alloc : memref<!tpu.dma_semaphore, #tpu.memory_space<semaphore_mem>>
      %dma_start3A = tpu.memref_slice %arg2[%mul3A_20] : memref<32768xf32, #tpu.memory_space<hbm>> -> memref<4096xf32, #tpu.memory_space<hbm>>
      %dma_start3A_29 = tpu.memref_slice %arg2[%mul3A_20] : memref<32768xf32, #tpu.memory_space<hbm>> -> memref<4096xf32, #tpu.memory_space<hbm>>
      tpu.enqueue_dma source(%dma_start3A_29 : memref<4096xf32, #tpu.memory_space<hbm>>) target(%arg12 : memref<4096xf32, #tpu.memory_space<vmem>>) target_semaphore(%run_scoped3A : memref<!tpu.dma_semaphore, #tpu.memory_space<semaphore_mem>>)
      %dma_wait3A = tpu.memref_slice %arg2[%mul3A_20] : memref<32768xf32, #tpu.memory_space<hbm>> -> memref<4096xf32, #tpu.memory_space<hbm>>
      %dma_wait3A_30 = tpu.memref_slice %arg2[%mul3A_20] : memref<32768xf32, #tpu.memory_space<hbm>> -> memref<4096xf32, #tpu.memory_space<hbm>>
      tpu.wait_dma2 semaphore(%run_scoped3A : memref<!tpu.dma_semaphore, #tpu.memory_space<semaphore_mem>>) src(%dma_wait3A_30 : memref<4096xf32, #tpu.memory_space<hbm>>) dst(%arg12 : memref<4096xf32, #tpu.memory_space<vmem>>)
      tpu.yield
    }) : () -> ()
    "tpu.region"() ({
      %run_scoped3A = tpu.sem_alloc : memref<!tpu.dma_semaphore, #tpu.memory_space<semaphore_mem>>
      %dma_start3A = tpu.memref_slice %arg3[%mul3A_20] : memref<32768xf32, #tpu.memory_space<hbm>> -> memref<4096xf32, #tpu.memory_space<hbm>>
      %dma_start3A_29 = tpu.memref_slice %arg3[%mul3A_20] : memref<32768xf32, #tpu.memory_space<hbm>> -> memref<4096xf32, #tpu.memory_space<hbm>>
      tpu.enqueue_dma source(%dma_start3A_29 : memref<4096xf32, #tpu.memory_space<hbm>>) target(%arg13 : memref<4096xf32, #tpu.memory_space<vmem>>) target_semaphore(%run_scoped3A : memref<!tpu.dma_semaphore, #tpu.memory_space<semaphore_mem>>)
      %dma_wait3A = tpu.memref_slice %arg3[%mul3A_20] : memref<32768xf32, #tpu.memory_space<hbm>> -> memref<4096xf32, #tpu.memory_space<hbm>>
      %dma_wait3A_30 = tpu.memref_slice %arg3[%mul3A_20] : memref<32768xf32, #tpu.memory_space<hbm>> -> memref<4096xf32, #tpu.memory_space<hbm>>
      tpu.wait_dma2 semaphore(%run_scoped3A : memref<!tpu.dma_semaphore, #tpu.memory_space<semaphore_mem>>) src(%dma_wait3A_30 : memref<4096xf32, #tpu.memory_space<hbm>>) dst(%arg13 : memref<4096xf32, #tpu.memory_space<vmem>>)
      tpu.yield
    }) : () -> ()
    "tpu.region"() ({
      %run_scoped3A = tpu.sem_alloc : memref<!tpu.dma_semaphore, #tpu.memory_space<semaphore_mem>>
      %dma_start3A = tpu.memref_slice %arg4[%mul3A_20] : memref<32768xf32, #tpu.memory_space<hbm>> -> memref<4096xf32, #tpu.memory_space<hbm>>
      %dma_start3A_29 = tpu.memref_slice %arg4[%mul3A_20] : memref<32768xf32, #tpu.memory_space<hbm>> -> memref<4096xf32, #tpu.memory_space<hbm>>
      tpu.enqueue_dma source(%dma_start3A_29 : memref<4096xf32, #tpu.memory_space<hbm>>) target(%arg14 : memref<4096xf32, #tpu.memory_space<vmem>>) target_semaphore(%run_scoped3A : memref<!tpu.dma_semaphore, #tpu.memory_space<semaphore_mem>>)
      %dma_wait3A = tpu.memref_slice %arg4[%mul3A_20] : memref<32768xf32, #tpu.memory_space<hbm>> -> memref<4096xf32, #tpu.memory_space<hbm>>
      %dma_wait3A_30 = tpu.memref_slice %arg4[%mul3A_20] : memref<32768xf32, #tpu.memory_space<hbm>> -> memref<4096xf32, #tpu.memory_space<hbm>>
      tpu.wait_dma2 semaphore(%run_scoped3A : memref<!tpu.dma_semaphore, #tpu.memory_space<semaphore_mem>>) src(%dma_wait3A_30 : memref<4096xf32, #tpu.memory_space<hbm>>) dst(%arg14 : memref<4096xf32, #tpu.memory_space<vmem>>)
      tpu.yield
    }) : () -> ()
    "tpu.region"() ({
      %run_scoped3A = tpu.sem_alloc : memref<!tpu.dma_semaphore, #tpu.memory_space<semaphore_mem>>
      %dma_start3A = tpu.memref_slice %arg5[%mul3A_18] : memref<16384xi32, #tpu.memory_space<hbm>> -> memref<512xi32, #tpu.memory_space<hbm>>
      %dma_start3A_29 = tpu.memref_slice %arg5[%mul3A_18] : memref<16384xi32, #tpu.memory_space<hbm>> -> memref<512xi32, #tpu.memory_space<hbm>>
      tpu.enqueue_dma source(%dma_start3A_29 : memref<512xi32, #tpu.memory_space<hbm>>) target(%arg15 : memref<512xi32, #tpu.memory_space<vmem>>) target_semaphore(%run_scoped3A : memref<!tpu.dma_semaphore, #tpu.memory_space<semaphore_mem>>)
      %dma_wait3A = tpu.memref_slice %arg5[%mul3A_18] : memref<16384xi32, #tpu.memory_space<hbm>> -> memref<512xi32, #tpu.memory_space<hbm>>
      %dma_wait3A_30 = tpu.memref_slice %arg5[%mul3A_18] : memref<16384xi32, #tpu.memory_space<hbm>> -> memref<512xi32, #tpu.memory_space<hbm>>
      tpu.wait_dma2 semaphore(%run_scoped3A : memref<!tpu.dma_semaphore, #tpu.memory_space<semaphore_mem>>) src(%dma_wait3A_30 : memref<512xi32, #tpu.memory_space<hbm>>) dst(%arg15 : memref<512xi32, #tpu.memory_space<vmem>>)
      tpu.yield
    }) : () -> ()
    "tpu.region"() ({
      %run_scoped3A = tpu.sem_alloc : memref<!tpu.dma_semaphore, #tpu.memory_space<semaphore_mem>>
      %dma_start3A = tpu.memref_slice %arg6[%mul3A_18] : memref<16384xf32, #tpu.memory_space<hbm>> -> memref<512xf32, #tpu.memory_space<hbm>>
      %dma_start3A_29 = tpu.memref_slice %arg6[%mul3A_18] : memref<16384xf32, #tpu.memory_space<hbm>> -> memref<512xf32, #tpu.memory_space<hbm>>
      tpu.enqueue_dma source(%dma_start3A_29 : memref<512xf32, #tpu.memory_space<hbm>>) target(%arg16 : memref<512xf32, #tpu.memory_space<vmem>>) target_semaphore(%run_scoped3A : memref<!tpu.dma_semaphore, #tpu.memory_space<semaphore_mem>>)
      %dma_wait3A = tpu.memref_slice %arg6[%mul3A_18] : memref<16384xf32, #tpu.memory_space<hbm>> -> memref<512xf32, #tpu.memory_space<hbm>>
      %dma_wait3A_30 = tpu.memref_slice %arg6[%mul3A_18] : memref<16384xf32, #tpu.memory_space<hbm>> -> memref<512xf32, #tpu.memory_space<hbm>>
      tpu.wait_dma2 semaphore(%run_scoped3A : memref<!tpu.dma_semaphore, #tpu.memory_space<semaphore_mem>>) src(%dma_wait3A_30 : memref<512xf32, #tpu.memory_space<hbm>>) dst(%arg16 : memref<512xf32, #tpu.memory_space<vmem>>)
      tpu.yield
    }) : () -> ()
    "tpu.region"() ({
      %run_scoped3A = tpu.sem_alloc : memref<!tpu.dma_semaphore, #tpu.memory_space<semaphore_mem>>
      %dma_start3A = tpu.memref_slice %arg7[%mul3A_18] : memref<16384xf32, #tpu.memory_space<hbm>> -> memref<512xf32, #tpu.memory_space<hbm>>
      %dma_start3A_29 = tpu.memref_slice %arg7[%mul3A_18] : memref<16384xf32, #tpu.memory_space<hbm>> -> memref<512xf32, #tpu.memory_space<hbm>>
      tpu.enqueue_dma source(%dma_start3A_29 : memref<512xf32, #tpu.memory_space<hbm>>) target(%arg17 : memref<512xf32, #tpu.memory_space<vmem>>) target_semaphore(%run_scoped3A : memref<!tpu.dma_semaphore, #tpu.memory_space<semaphore_mem>>)
      %dma_wait3A = tpu.memref_slice %arg7[%mul3A_18] : memref<16384xf32, #tpu.memory_space<hbm>> -> memref<512xf32, #tpu.memory_space<hbm>>
      %dma_wait3A_30 = tpu.memref_slice %arg7[%mul3A_18] : memref<16384xf32, #tpu.memory_space<hbm>> -> memref<512xf32, #tpu.memory_space<hbm>>
      tpu.wait_dma2 semaphore(%run_scoped3A : memref<!tpu.dma_semaphore, #tpu.memory_space<semaphore_mem>>) src(%dma_wait3A_30 : memref<512xf32, #tpu.memory_space<hbm>>) dst(%arg17 : memref<512xf32, #tpu.memory_space<vmem>>)
      tpu.yield
    }) : () -> ()
    "tpu.region"() ({
      %run_scoped3A = tpu.sem_alloc : memref<!tpu.dma_semaphore, #tpu.memory_space<semaphore_mem>>
      %dma_start3A = tpu.memref_slice %arg8[%mul3A_18] : memref<16384xf32, #tpu.memory_space<hbm>> -> memref<512xf32, #tpu.memory_space<hbm>>
      %dma_start3A_29 = tpu.memref_slice %arg8[%mul3A_18] : memref<16384xf32, #tpu.memory_space<hbm>> -> memref<512xf32, #tpu.memory_space<hbm>>
      tpu.enqueue_dma source(%dma_start3A_29 : memref<512xf32, #tpu.memory_space<hbm>>) target(%arg18 : memref<512xf32, #tpu.memory_space<vmem>>) target_semaphore(%run_scoped3A : memref<!tpu.dma_semaphore, #tpu.memory_space<semaphore_mem>>)
      %dma_wait3A = tpu.memref_slice %arg8[%mul3A_18] : memref<16384xf32, #tpu.memory_space<hbm>> -> memref<512xf32, #tpu.memory_space<hbm>>
      %dma_wait3A_30 = tpu.memref_slice %arg8[%mul3A_18] : memref<16384xf32, #tpu.memory_space<hbm>> -> memref<512xf32, #tpu.memory_space<hbm>>
      tpu.wait_dma2 semaphore(%run_scoped3A : memref<!tpu.dma_semaphore, #tpu.memory_space<semaphore_mem>>) src(%dma_wait3A_30 : memref<512xf32, #tpu.memory_space<hbm>>) dst(%arg18 : memref<512xf32, #tpu.memory_space<vmem>>)
      tpu.yield
    }) : () -> ()
    %iota3A = tpu.iota {dimensions = array<i32: 0>} : vector<16xi32>
    %broadcast_in_dim3A = arith.constant 0xFF800000 : f32
    %broadcast_in_dim3A_21 = vector.broadcast %broadcast_in_dim3A : f32 to vector<16xf32>
    %broadcast_in_dim3A_22 = vector.broadcast %mul3A_20 : i32 to vector<16xi32>
    %scan3A = arith.constant 0 : i32
    %scan3A_23 = arith.constant 0 : i32
    %scan3A_24 = arith.constant 8 : i32
    %scan3A_25 = arith.addi %scan3A_23, %scan3A_24 : i32
    %scan3A_26 = arith.constant 1 : i32
    %scan3A_27 = scf.for %scan3A_29 = %scan3A_23 to %scan3A_25 step %scan3A_26 iter_args(%scan3A_30 = %scan3A) -> (i32)  : i32 {
      %mul3A_31 = arith.constant 64 : i32
      %mul3A_32 = arith.muli %scan3A_29, %mul3A_31 : i32
      %add3A_33 = arith.addi %mul3A_18, %mul3A_32 : i32
      "tpu.region"() ({
        %run_scoped3A = tpu.sem_alloc : memref<!tpu.dma_semaphore, #tpu.memory_space<semaphore_mem>>
        %dma_start3A_291 = arith.constant 0 : i32
        %dma_start3A_292 = tpu.memref_slice %arg9[%add3A_33, %dma_start3A_291] : memref<16384x128xf32, #tpu.memory_space<hbm>> -> memref<64x128xf32, #tpu.memory_space<hbm>>
        %dma_start3A_293 = arith.constant 0 : i32
        %dma_start3A_294 = tpu.memref_slice %arg9[%add3A_33, %dma_start3A_293] : memref<16384x128xf32, #tpu.memory_space<hbm>> -> memref<64x128xf32, #tpu.memory_space<hbm>>
        tpu.enqueue_dma source(%dma_start3A_294 : memref<64x128xf32, #tpu.memory_space<hbm>>) target(%arg19 : memref<64x128xf32, #tpu.memory_space<vmem>>) target_semaphore(%run_scoped3A : memref<!tpu.dma_semaphore, #tpu.memory_space<semaphore_mem>>)
        %dma_wait3A_295 = arith.constant 0 : i32
        %dma_wait3A_296 = tpu.memref_slice %arg9[%add3A_33, %dma_wait3A_295] : memref<16384x128xf32, #tpu.memory_space<hbm>> -> memref<64x128xf32, #tpu.memory_space<hbm>>
        %dma_wait3A_297 = arith.constant 0 : i32
        %dma_wait3A_298 = tpu.memref_slice %arg9[%add3A_33, %dma_wait3A_297] : memref<16384x128xf32, #tpu.memory_space<hbm>> -> memref<64x128xf32, #tpu.memory_space<hbm>>
        tpu.wait_dma2 semaphore(%run_scoped3A : memref<!tpu.dma_semaphore, #tpu.memory_space<semaphore_mem>>) src(%dma_wait3A_298 : memref<64x128xf32, #tpu.memory_space<hbm>>) dst(%arg19 : memref<64x128xf32, #tpu.memory_space<vmem>>)
        tpu.yield
      }) : () -> ()
      %mul3A_34 = arith.constant 64 : i32
      %mul3A_35 = arith.muli %scan3A_29, %mul3A_34 : i32
      %jit3A_36 = arith.constant 16 : i32
      %div3A_37 = arith.divsi %mul3A_35, %jit3A_36 : i32
      %sign3A_38 = arith.constant 0 : i32
      %sign3A_39 = arith.cmpi sgt, %mul3A_35, %sign3A_38 : i32
      %sign3A_40 = arith.extui %sign3A_39 : i1 to i32
      %sign3A_41 = arith.constant 0 : i32
      %sign3A_42 = arith.cmpi slt, %mul3A_35, %sign3A_41 : i32
      %sign3A_43 = arith.extui %sign3A_42 : i1 to i32
      %sign3A_44 = arith.subi %sign3A_40, %sign3A_43 : i32
      %sign3A_45 = arith.constant 0 : i32
      %sign3A_46 = arith.cmpi sgt, %jit3A_36, %sign3A_45 : i32
      %sign3A_47 = arith.extui %sign3A_46 : i1 to i32
      %sign3A_48 = arith.constant 0 : i32
      %sign3A_49 = arith.cmpi slt, %jit3A_36, %sign3A_48 : i32
      %sign3A_50 = arith.extui %sign3A_49 : i1 to i32
      %sign3A_51 = arith.subi %sign3A_47, %sign3A_50 : i32
      %ne3A_52 = arith.cmpi ne, %sign3A_44, %sign3A_51 : i32
      %rem3A_53 = arith.remsi %mul3A_35, %jit3A_36 : i32
      %ne3A_54 = arith.constant 0 : i32
      %ne3A_55 = arith.cmpi ne, %rem3A_53, %ne3A_54 : i32
      %and3A_56 = arith.andi %ne3A_52, %ne3A_55 : i1
      %sub3A_57 = arith.constant 1 : i32
      %sub3A_58 = arith.subi %div3A_37, %sub3A_57 : i32
      %select_n3A_59 = arith.select %and3A_56, %sub3A_58, %div3A_37 : i32
      %mul3A_60 = arith.constant 16 : i32
      %mul3A_61 = arith.muli %select_n3A_59, %mul3A_60 : i32
      %sub3A_62 = arith.subi %mul3A_35, %mul3A_61 : i32
      %mul3A_63 = arith.constant 16 : i32
      %mul3A_64 = arith.muli %select_n3A_59, %mul3A_63 : i32
      %get3A = arith.index_cast %mul3A_64 : i32 to index
      %get3A_65 = tpu.vector_load %arg15[%get3A] {strides = array<i32>} : memref<512xi32, #tpu.memory_space<vmem>>, vector<16xi32>,
      %broadcast_in_dim3A_66 = vector.broadcast %sub3A_62 : i32 to vector<16xi32>
      %eq3A = arith.cmpi eq, %iota3A, %broadcast_in_dim3A_66 : vector<16xi32>
      %broadcast_in_dim3A_67 = arith.constant 0 : i32
      %broadcast_in_dim3A_68 = vector.broadcast %broadcast_in_dim3A_67 : i32 to vector<16xi32>
      %select_n3A_69 = arith.select %eq3A, %get3A_65, %broadcast_in_dim3A_68 : vector<16xi1>, vector<16xi32>
      %reduce_sum3A = arith.constant true
      %reduce_sum3A_70 = vector.broadcast %reduce_sum3A : i1 to vector<16xi1>
      %reduce_sum3A_71 = tpu.scan <sum>, %select_n3A_69 masked %reduce_sum3A_70 : vector<16xi32>, vector<16xi1> -> vector<16xi32>
      %reduce_sum3A_72 = vector.extract %reduce_sum3A_71[15] : i32 from vector<16xi32>
      %broadcast_in_dim3A_73 = vector.broadcast %reduce_sum3A_72 : i32 to vector<16xi32>
      %mul3A_74 = arith.constant 16 : i32
      %mul3A_75 = arith.muli %select_n3A_59, %mul3A_74 : i32
      %get3A_76 = arith.index_cast %mul3A_75 : i32 to index
      %get3A_77 = tpu.vector_load %arg16[%get3A_76] {strides = array<i32>} : memref<512xf32, #tpu.memory_space<vmem>>, vector<16xf32>,
      %broadcast_in_dim3A_78 = vector.broadcast %sub3A_62 : i32 to vector<16xi32>
      %eq3A_79 = arith.cmpi eq, %iota3A, %broadcast_in_dim3A_78 : vector<16xi32>
      %broadcast_in_dim3A_80 = arith.constant 0.000000e+00 : f32
      %broadcast_in_dim3A_81 = vector.broadcast %broadcast_in_dim3A_80 : f32 to vector<16xf32>
      %select_n3A_82 = arith.select %eq3A_79, %get3A_77, %broadcast_in_dim3A_81 : vector<16xi1>, vector<16xf32>
      %reduce_sum3A_83 = arith.constant true
      %reduce_sum3A_84 = vector.broadcast %reduce_sum3A_83 : i1 to vector<16xi1>
      %reduce_sum3A_85 = tpu.scan <sum>, %select_n3A_82 masked %reduce_sum3A_84 : vector<16xf32>, vector<16xi1> -> vector<16xf32>
      %reduce_sum3A_86 = vector.extract %reduce_sum3A_85[15] : f32 from vector<16xf32>
      %broadcast_in_dim3A_87 = vector.broadcast %reduce_sum3A_86 : f32 to vector<16xf32>
      %mul3A_88 = arith.constant 16 : i32
      %mul3A_89 = arith.muli %select_n3A_59, %mul3A_88 : i32
      %get3A_90 = arith.index_cast %mul3A_89 : i32 to index
      %get3A_91 = tpu.vector_load %arg17[%get3A_90] {strides = array<i32>} : memref<512xf32, #tpu.memory_space<vmem>>, vector<16xf32>,
      %broadcast_in_dim3A_92 = vector.broadcast %sub3A_62 : i32 to vector<16xi32>
      %eq3A_93 = arith.cmpi eq, %iota3A, %broadcast_in_dim3A_92 : vector<16xi32>
      %broadcast_in_dim3A_94 = arith.constant 0.000000e+00 : f32
      %broadcast_in_dim3A_95 = vector.broadcast %broadcast_in_dim3A_94 : f32 to vector<16xf32>
      %select_n3A_96 = arith.select %eq3A_93, %get3A_91, %broadcast_in_dim3A_95 : vector<16xi1>, vector<16xf32>
      %reduce_sum3A_97 = arith.constant true
      %reduce_sum3A_98 = vector.broadcast %reduce_sum3A_97 : i1 to vector<16xi1>
      %reduce_sum3A_99 = tpu.scan <sum>, %select_n3A_96 masked %reduce_sum3A_98 : vector<16xf32>, vector<16xi1> -> vector<16xf32>
      %reduce_sum3A_100 = vector.extract %reduce_sum3A_99[15] : f32 from vector<16xf32>
      %broadcast_in_dim3A_101 = vector.broadcast %reduce_sum3A_100 : f32 to vector<16xf32>
      %mul3A_102 = arith.constant 16 : i32
      %mul3A_103 = arith.muli %select_n3A_59, %mul3A_102 : i32
      %get3A_104 = arith.index_cast %mul3A_103 : i32 to index
      %get3A_105 = tpu.vector_load %arg18[%get3A_104] {strides = array<i32>} : memref<512xf32, #tpu.memory_space<vmem>>, vector<16xf32>,
      %broadcast_in_dim3A_106 = vector.broadcast %sub3A_62 : i32 to vector<16xi32>
      %eq3A_107 = arith.cmpi eq, %iota3A, %broadcast_in_dim3A_106 : vector<16xi32>
      %broadcast_in_dim3A_108 = arith.constant 0.000000e+00 : f32
      %broadcast_in_dim3A_109 = vector.broadcast %broadcast_in_dim3A_108 : f32 to vector<16xf32>
      %select_n3A_110 = arith.select %eq3A_107, %get3A_105, %broadcast_in_dim3A_109 : vector<16xi1>, vector<16xf32>
      %reduce_sum3A_111 = arith.constant true
      %reduce_sum3A_112 = vector.broadcast %reduce_sum3A_111 : i1 to vector<16xi1>
      %reduce_sum3A_113 = tpu.scan <sum>, %select_n3A_110 masked %reduce_sum3A_112 : vector<16xf32>, vector<16xi1> -> vector<16xf32>
      %reduce_sum3A_114 = vector.extract %reduce_sum3A_113[15] : f32 from vector<16xf32>
      %broadcast_in_dim3A_115 = vector.broadcast %reduce_sum3A_114 : f32 to vector<16xf32>
      %add3A_116 = arith.addi %broadcast_in_dim3A_73, %broadcast_in_dim3A_22 : vector<16xi32>
      %swap3A = arith.constant 0 : i32
      %swap3A_117 = arith.index_cast %swap3A : i32 to index
      %swap3A_118 = arith.constant 0 : index
      %swap3A_119 = tpu.vector_load %arg20[%swap3A_117, %swap3A_118] {strides = array<i32>} : memref<2x128xi32, #tpu.memory_space<vmem>>, vector<16xi32>,
      tpu.vector_store %arg20[%swap3A_117, %swap3A_118], %add3A_116 {strides = array<i32>} : memref<2x128xi32, #tpu.memory_space<vmem>>, vector<16xi32>,
      %swap3A_120 = arith.constant 0 : i32
      %swap3A_121 = arith.index_cast %swap3A_120 : i32 to index
      %swap3A_122 = arith.constant 16 : index
      %swap3A_123 = tpu.vector_load %arg20[%swap3A_121, %swap3A_122] {strides = array<i32>} : memref<2x128xi32, #tpu.memory_space<vmem>>, vector<16xi32>,
      tpu.vector_store %arg20[%swap3A_121, %swap3A_122], %add3A_116 {strides = array<i32>} : memref<2x128xi32, #tpu.memory_space<vmem>>, vector<16xi32>,
      %swap3A_124 = arith.constant 0 : i32
      %swap3A_125 = arith.index_cast %swap3A_124 : i32 to index
      %swap3A_126 = arith.constant 32 : index
      %swap3A_127 = tpu.vector_load %arg20[%swap3A_125, %swap3A_126] {strides = array<i32>} : memref<2x128xi32, #tpu.memory_space<vmem>>, vector<16xi32>,
      tpu.vector_store %arg20[%swap3A_125, %swap3A_126], %add3A_116 {strides = array<i32>} : memref<2x128xi32, #tpu.memory_space<vmem>>, vector<16xi32>,
      %swap3A_128 = arith.constant 0 : i32
      %swap3A_129 = arith.index_cast %swap3A_128 : i32 to index
      %swap3A_130 = arith.constant 48 : index
      %swap3A_131 = tpu.vector_load %arg20[%swap3A_129, %swap3A_130] {strides = array<i32>} : memref<2x128xi32, #tpu.memory_space<vmem>>, vector<16xi32>,
      tpu.vector_store %arg20[%swap3A_129, %swap3A_130], %add3A_116 {strides = array<i32>} : memref<2x128xi32, #tpu.memory_space<vmem>>, vector<16xi32>,
      %swap3A_132 = arith.constant 0 : i32
      %swap3A_133 = arith.index_cast %swap3A_132 : i32 to index
      %swap3A_134 = arith.constant 64 : index
      %swap3A_135 = tpu.vector_load %arg20[%swap3A_133, %swap3A_134] {strides = array<i32>} : memref<2x128xi32, #tpu.memory_space<vmem>>, vector<16xi32>,
      tpu.vector_store %arg20[%swap3A_133, %swap3A_134], %add3A_116 {strides = array<i32>} : memref<2x128xi32, #tpu.memory_space<vmem>>, vector<16xi32>,
      %swap3A_136 = arith.constant 0 : i32
      %swap3A_137 = arith.index_cast %swap3A_136 : i32 to index
      %swap3A_138 = arith.constant 80 : index
      %swap3A_139 = tpu.vector_load %arg20[%swap3A_137, %swap3A_138] {strides = array<i32>} : memref<2x128xi32, #tpu.memory_space<vmem>>, vector<16xi32>,
      tpu.vector_store %arg20[%swap3A_137, %swap3A_138], %add3A_116 {strides = array<i32>} : memref<2x128xi32, #tpu.memory_space<vmem>>, vector<16xi32>,
      %swap3A_140 = arith.constant 0 : i32
      %swap3A_141 = arith.index_cast %swap3A_140 : i32 to index
      %swap3A_142 = arith.constant 96 : index
      %swap3A_143 = tpu.vector_load %arg20[%swap3A_141, %swap3A_142] {strides = array<i32>} : memref<2x128xi32, #tpu.memory_space<vmem>>, vector<16xi32>,
      tpu.vector_store %arg20[%swap3A_141, %swap3A_142], %add3A_116 {strides = array<i32>} : memref<2x128xi32, #tpu.memory_space<vmem>>, vector<16xi32>,
      %swap3A_144 = arith.constant 0 : i32
      %swap3A_145 = arith.index_cast %swap3A_144 : i32 to index
      %swap3A_146 = arith.constant 112 : index
      %swap3A_147 = tpu.vector_load %arg20[%swap3A_145, %swap3A_146] {strides = array<i32>} : memref<2x128xi32, #tpu.memory_space<vmem>>, vector<16xi32>,
      tpu.vector_store %arg20[%swap3A_145, %swap3A_146], %add3A_116 {strides = array<i32>} : memref<2x128xi32, #tpu.memory_space<vmem>>, vector<16xi32>,
      %broadcast_in_dim3A_148 = arith.constant 0 : i32
      %broadcast_in_dim3A_149 = vector.broadcast %broadcast_in_dim3A_148 : i32 to vector<16xi32>
      %while3A = arith.constant 0 : i32
      %while3A_150 = arith.constant 0 : i32
      %while3A_151:3 = scf.while (%while3A_291 = %while3A, %while3A_292 = %while3A_150, %while3A_293 = %broadcast_in_dim3A_149) : (i32, i32, vector<16xi32>) -> (i32, i32, vector<16xi32>) {
        %lt3A = arith.constant 64 : i32
        %lt3A_294 = arith.cmpi slt, %while3A_291, %lt3A : i32
        %lt3A_295 = arith.constant 64 : i32
        %lt3A_296 = arith.cmpi slt, %while3A_292, %lt3A_295 : i32
        %and3A_297 = arith.andi %lt3A_294, %lt3A_296 : i1
        scf.condition(%and3A_297) %while3A_291, %while3A_292, %while3A_293 : i32, i32, vector<16xi32>
      } do {
      ^bb0(%while3A_291: i32, %while3A_292: i32, %while3A_293: vector<16xi32>):
        %mul3A_294 = arith.constant 64 : i32
        %mul3A_295 = arith.muli %while3A_291, %mul3A_294 : i32
        %add3A_296 = arith.constant 0 : i32
        %add3A_297 = arith.addi %mul3A_295, %add3A_296 : i32
        %get3A_298 = arith.index_cast %add3A_297 : i32 to index
        %get3A_299 = tpu.vector_load %arg12[%get3A_298] {strides = array<i32>} : memref<4096xf32, #tpu.memory_space<vmem>>, vector<16xf32>,
        %add3A_300 = arith.constant 0 : i32
        %add3A_301 = arith.addi %mul3A_295, %add3A_300 : i32
        %get3A_302 = arith.index_cast %add3A_301 : i32 to index
        %get3A_303 = tpu.vector_load %arg13[%get3A_302] {strides = array<i32>} : memref<4096xf32, #tpu.memory_space<vmem>>, vector<16xf32>,
        %add3A_304 = arith.constant 0 : i32
        %add3A_305 = arith.addi %mul3A_295, %add3A_304 : i32
        %get3A_306 = arith.index_cast %add3A_305 : i32 to index
        %get3A_307 = tpu.vector_load %arg14[%get3A_306] {strides = array<i32>} : memref<4096xf32, #tpu.memory_space<vmem>>, vector<16xf32>,
        %add3A_308 = arith.addi %mul3A_20, %mul3A_295 : i32
        %add3A_309 = arith.constant 0 : i32
        %add3A_310 = arith.addi %add3A_308, %add3A_309 : i32
        %broadcast_in_dim3A_311 = vector.broadcast %add3A_310 : i32 to vector<16xi32>
        %add3A_312 = arith.addi %broadcast_in_dim3A_311, %iota3A : vector<16xi32>
        %sub3A_313 = arith.subf %get3A_299, %broadcast_in_dim3A_87 : vector<16xf32>
        %sub3A_314 = arith.subf %get3A_303, %broadcast_in_dim3A_101 : vector<16xf32>
        %sub3A_315 = arith.subf %get3A_307, %broadcast_in_dim3A_115 : vector<16xf32>
        %mul3A_316 = arith.mulf %sub3A_313, %sub3A_313 : vector<16xf32>
        %mul3A_317 = arith.mulf %sub3A_314, %sub3A_314 : vector<16xf32>
        %add3A_318 = arith.addf %mul3A_316, %mul3A_317 : vector<16xf32>
        %mul3A_319 = arith.mulf %sub3A_315, %sub3A_315 : vector<16xf32>
        %add3A_320 = arith.addf %add3A_318, %mul3A_319 : vector<16xf32>
        %le3A = arith.constant 4.000000e-02 : f32
        %le3A_321 = vector.broadcast %le3A : f32 to vector<16xf32>
        %le3A_322 = arith.cmpf ole, %add3A_320, %le3A_321 : vector<16xf32>
        %ne3A_323 = arith.cmpi ne, %add3A_312, %add3A_116 : vector<16xi32>
        %and3A_324 = arith.andi %le3A_322, %ne3A_323 : vector<16xi1>
        %convert_element_type3A = arith.extui %and3A_324 : vector<16xi1> to vector<16xi32>
        %broadcast_in_dim3A_325 = arith.constant true
        %broadcast_in_dim3A_326 = vector.broadcast %broadcast_in_dim3A_325 : i1 to vector<16xi1>
        %masked_cumsum3A = tpu.scan <sum>, %convert_element_type3A masked %broadcast_in_dim3A_326 : vector<16xi32>, vector<16xi1> -> vector<16xi32>
        %add3A_327 = arith.addi %while3A_293, %masked_cumsum3A : vector<16xi32>
        %sub3A_328 = arith.constant 1 : i32
        %sub3A_329 = vector.broadcast %sub3A_328 : i32 to vector<16xi32>
        %sub3A_330 = arith.subi %add3A_327, %sub3A_329 : vector<16xi32>
        %scatter3A = arith.constant 0 : i32
        %scatter3A_331 = arith.constant 0 : i32
        %scatter3A_332 = tpu.memref_slice %arg20[%scatter3A, %scatter3A_331] : memref<2x128xi32, #tpu.memory_space<vmem>> -> memref<1x128xi32, #tpu.memory_space<vmem>>
        %scatter3A_333 = tpu.memref_squeeze %scatter3A_332 : memref<1x128xi32, #tpu.memory_space<vmem>> -> memref<128xi32, #tpu.memory_space<vmem>>
        tpu.vector_store_idx %scatter3A_333[%sub3A_330], %add3A_312 masked %and3A_324 : memref<128xi32, #tpu.memory_space<vmem>>[vector<16xi32>], vector<16xi32>, vector<16xi1>
        %all_reduce_population_count3A = tpu.all_reduce %and3A_324 {dim = 0 : i64, kind = #tpu.reduction_kind<sum>} : vector<16xi1> -> vector<16xi32>
        %add3A_334 = arith.addi %while3A_293, %all_reduce_population_count3A : vector<16xi32>
        %add3A_335 = arith.constant 16 : i32
        %add3A_336 = arith.addi %mul3A_295, %add3A_335 : i32
        %get3A_337 = arith.index_cast %add3A_336 : i32 to index
        %get3A_338 = tpu.vector_load %arg12[%get3A_337] {strides = array<i32>} : memref<4096xf32, #tpu.memory_space<vmem>>, vector<16xf32>,
        %add3A_339 = arith.constant 16 : i32
        %add3A_340 = arith.addi %mul3A_295, %add3A_339 : i32
        %get3A_341 = arith.index_cast %add3A_340 : i32 to index
        %get3A_342 = tpu.vector_load %arg13[%get3A_341] {strides = array<i32>} : memref<4096xf32, #tpu.memory_space<vmem>>, vector<16xf32>,
        %add3A_343 = arith.constant 16 : i32
        %add3A_344 = arith.addi %mul3A_295, %add3A_343 : i32
        %get3A_345 = arith.index_cast %add3A_344 : i32 to index
        %get3A_346 = tpu.vector_load %arg14[%get3A_345] {strides = array<i32>} : memref<4096xf32, #tpu.memory_space<vmem>>, vector<16xf32>,
        %add3A_347 = arith.addi %mul3A_20, %mul3A_295 : i32
        %add3A_348 = arith.constant 16 : i32
        %add3A_349 = arith.addi %add3A_347, %add3A_348 : i32
        %broadcast_in_dim3A_350 = vector.broadcast %add3A_349 : i32 to vector<16xi32>
        %add3A_351 = arith.addi %broadcast_in_dim3A_350, %iota3A : vector<16xi32>
        %sub3A_352 = arith.subf %get3A_338, %broadcast_in_dim3A_87 : vector<16xf32>
        %sub3A_353 = arith.subf %get3A_342, %broadcast_in_dim3A_101 : vector<16xf32>
        %sub3A_354 = arith.subf %get3A_346, %broadcast_in_dim3A_115 : vector<16xf32>
        %mul3A_355 = arith.mulf %sub3A_352, %sub3A_352 : vector<16xf32>
        %mul3A_356 = arith.mulf %sub3A_353, %sub3A_353 : vector<16xf32>
        %add3A_357 = arith.addf %mul3A_355, %mul3A_356 : vector<16xf32>
        %mul3A_358 = arith.mulf %sub3A_354, %sub3A_354 : vector<16xf32>
        %add3A_359 = arith.addf %add3A_357, %mul3A_358 : vector<16xf32>
        %le3A_360 = arith.constant 4.000000e-02 : f32
        %le3A_361 = vector.broadcast %le3A_360 : f32 to vector<16xf32>
        %le3A_362 = arith.cmpf ole, %add3A_359, %le3A_361 : vector<16xf32>
        %ne3A_363 = arith.cmpi ne, %add3A_351, %add3A_116 : vector<16xi32>
        %and3A_364 = arith.andi %le3A_362, %ne3A_363 : vector<16xi1>
        %convert_element_type3A_365 = arith.extui %and3A_364 : vector<16xi1> to vector<16xi32>
        %broadcast_in_dim3A_366 = arith.constant true
        %broadcast_in_dim3A_367 = vector.broadcast %broadcast_in_dim3A_366 : i1 to vector<16xi1>
        %masked_cumsum3A_368 = tpu.scan <sum>, %convert_element_type3A_365 masked %broadcast_in_dim3A_367 : vector<16xi32>, vector<16xi1> -> vector<16xi32>
        %add3A_369 = arith.addi %add3A_334, %masked_cumsum3A_368 : vector<16xi32>
        %sub3A_370 = arith.constant 1 : i32
        %sub3A_371 = vector.broadcast %sub3A_370 : i32 to vector<16xi32>
        %sub3A_372 = arith.subi %add3A_369, %sub3A_371 : vector<16xi32>
        %scatter3A_373 = arith.constant 0 : i32
        %scatter3A_374 = arith.constant 0 : i32
        %scatter3A_375 = tpu.memref_slice %arg20[%scatter3A_373, %scatter3A_374] : memref<2x128xi32, #tpu.memory_space<vmem>> -> memref<1x128xi32, #tpu.memory_space<vmem>>
        %scatter3A_376 = tpu.memref_squeeze %scatter3A_375 : memref<1x128xi32, #tpu.memory_space<vmem>> -> memref<128xi32, #tpu.memory_space<vmem>>
        tpu.vector_store_idx %scatter3A_376[%sub3A_372], %add3A_351 masked %and3A_364 : memref<128xi32, #tpu.memory_space<vmem>>[vector<16xi32>], vector<16xi32>, vector<16xi1>
        %all_reduce_population_count3A_377 = tpu.all_reduce %and3A_364 {dim = 0 : i64, kind = #tpu.reduction_kind<sum>} : vector<16xi1> -> vector<16xi32>
        %add3A_378 = arith.addi %add3A_334, %all_reduce_population_count3A_377 : vector<16xi32>
        %add3A_379 = arith.constant 32 : i32
        %add3A_380 = arith.addi %mul3A_295, %add3A_379 : i32
        %get3A_381 = arith.index_cast %add3A_380 : i32 to index
        %get3A_382 = tpu.vector_load %arg12[%get3A_381] {strides = array<i32>} : memref<4096xf32, #tpu.memory_space<vmem>>, vector<16xf32>,
        %add3A_383 = arith.constant 32 : i32
        %add3A_384 = arith.addi %mul3A_295, %add3A_383 : i32
        %get3A_385 = arith.index_cast %add3A_384 : i32 to index
        %get3A_386 = tpu.vector_load %arg13[%get3A_385] {strides = array<i32>} : memref<4096xf32, #tpu.memory_space<vmem>>, vector<16xf32>,
        %add3A_387 = arith.constant 32 : i32
        %add3A_388 = arith.addi %mul3A_295, %add3A_387 : i32
        %get3A_389 = arith.index_cast %add3A_388 : i32 to index
        %get3A_390 = tpu.vector_load %arg14[%get3A_389] {strides = array<i32>} : memref<4096xf32, #tpu.memory_space<vmem>>, vector<16xf32>,
        %add3A_391 = arith.addi %mul3A_20, %mul3A_295 : i32
        %add3A_392 = arith.constant 32 : i32
        %add3A_393 = arith.addi %add3A_391, %add3A_392 : i32
        %broadcast_in_dim3A_394 = vector.broadcast %add3A_393 : i32 to vector<16xi32>
        %add3A_395 = arith.addi %broadcast_in_dim3A_394, %iota3A : vector<16xi32>
        %sub3A_396 = arith.subf %get3A_382, %broadcast_in_dim3A_87 : vector<16xf32>
        %sub3A_397 = arith.subf %get3A_386, %broadcast_in_dim3A_101 : vector<16xf32>
        %sub3A_398 = arith.subf %get3A_390, %broadcast_in_dim3A_115 : vector<16xf32>
        %mul3A_399 = arith.mulf %sub3A_396, %sub3A_396 : vector<16xf32>
        %mul3A_400 = arith.mulf %sub3A_397, %sub3A_397 : vector<16xf32>
        %add3A_401 = arith.addf %mul3A_399, %mul3A_400 : vector<16xf32>
        %mul3A_402 = arith.mulf %sub3A_398, %sub3A_398 : vector<16xf32>
        %add3A_403 = arith.addf %add3A_401, %mul3A_402 : vector<16xf32>
        %le3A_404 = arith.constant 4.000000e-02 : f32
        %le3A_405 = vector.broadcast %le3A_404 : f32 to vector<16xf32>
        %le3A_406 = arith.cmpf ole, %add3A_403, %le3A_405 : vector<16xf32>
        %ne3A_407 = arith.cmpi ne, %add3A_395, %add3A_116 : vector<16xi32>
        %and3A_408 = arith.andi %le3A_406, %ne3A_407 : vector<16xi1>
        %convert_element_type3A_409 = arith.extui %and3A_408 : vector<16xi1> to vector<16xi32>
        %broadcast_in_dim3A_410 = arith.constant true
        %broadcast_in_dim3A_411 = vector.broadcast %broadcast_in_dim3A_410 : i1 to vector<16xi1>
        %masked_cumsum3A_412 = tpu.scan <sum>, %convert_element_type3A_409 masked %broadcast_in_dim3A_411 : vector<16xi32>, vector<16xi1> -> vector<16xi32>
        %add3A_413 = arith.addi %add3A_378, %masked_cumsum3A_412 : vector<16xi32>
        %sub3A_414 = arith.constant 1 : i32
        %sub3A_415 = vector.broadcast %sub3A_414 : i32 to vector<16xi32>
        %sub3A_416 = arith.subi %add3A_413, %sub3A_415 : vector<16xi32>
        %scatter3A_417 = arith.constant 0 : i32
        %scatter3A_418 = arith.constant 0 : i32
        %scatter3A_419 = tpu.memref_slice %arg20[%scatter3A_417, %scatter3A_418] : memref<2x128xi32, #tpu.memory_space<vmem>> -> memref<1x128xi32, #tpu.memory_space<vmem>>
        %scatter3A_420 = tpu.memref_squeeze %scatter3A_419 : memref<1x128xi32, #tpu.memory_space<vmem>> -> memref<128xi32, #tpu.memory_space<vmem>>
        tpu.vector_store_idx %scatter3A_420[%sub3A_416], %add3A_395 masked %and3A_408 : memref<128xi32, #tpu.memory_space<vmem>>[vector<16xi32>], vector<16xi32>, vector<16xi1>
        %all_reduce_population_count3A_421 = tpu.all_reduce %and3A_408 {dim = 0 : i64, kind = #tpu.reduction_kind<sum>} : vector<16xi1> -> vector<16xi32>
        %add3A_422 = arith.addi %add3A_378, %all_reduce_population_count3A_421 : vector<16xi32>
        %add3A_423 = arith.constant 48 : i32
        %add3A_424 = arith.addi %mul3A_295, %add3A_423 : i32
        %get3A_425 = arith.index_cast %add3A_424 : i32 to index
        %get3A_426 = tpu.vector_load %arg12[%get3A_425] {strides = array<i32>} : memref<4096xf32, #tpu.memory_space<vmem>>, vector<16xf32>,
        %add3A_427 = arith.constant 48 : i32
        %add3A_428 = arith.addi %mul3A_295, %add3A_427 : i32
        %get3A_429 = arith.index_cast %add3A_428 : i32 to index
        %get3A_430 = tpu.vector_load %arg13[%get3A_429] {strides = array<i32>} : memref<4096xf32, #tpu.memory_space<vmem>>, vector<16xf32>,
        %add3A_431 = arith.constant 48 : i32
        %add3A_432 = arith.addi %mul3A_295, %add3A_431 : i32
        %get3A_433 = arith.index_cast %add3A_432 : i32 to index
        %get3A_434 = tpu.vector_load %arg14[%get3A_433] {strides = array<i32>} : memref<4096xf32, #tpu.memory_space<vmem>>, vector<16xf32>,
        %add3A_435 = arith.addi %mul3A_20, %mul3A_295 : i32
        %add3A_436 = arith.constant 48 : i32
        %add3A_437 = arith.addi %add3A_435, %add3A_436 : i32
        %broadcast_in_dim3A_438 = vector.broadcast %add3A_437 : i32 to vector<16xi32>
        %add3A_439 = arith.addi %broadcast_in_dim3A_438, %iota3A : vector<16xi32>
        %sub3A_440 = arith.subf %get3A_426, %broadcast_in_dim3A_87 : vector<16xf32>
        %sub3A_441 = arith.subf %get3A_430, %broadcast_in_dim3A_101 : vector<16xf32>
        %sub3A_442 = arith.subf %get3A_434, %broadcast_in_dim3A_115 : vector<16xf32>
        %mul3A_443 = arith.mulf %sub3A_440, %sub3A_440 : vector<16xf32>
        %mul3A_444 = arith.mulf %sub3A_441, %sub3A_441 : vector<16xf32>
        %add3A_445 = arith.addf %mul3A_443, %mul3A_444 : vector<16xf32>
        %mul3A_446 = arith.mulf %sub3A_442, %sub3A_442 : vector<16xf32>
        %add3A_447 = arith.addf %add3A_445, %mul3A_446 : vector<16xf32>
        %le3A_448 = arith.constant 4.000000e-02 : f32
        %le3A_449 = vector.broadcast %le3A_448 : f32 to vector<16xf32>
        %le3A_450 = arith.cmpf ole, %add3A_447, %le3A_449 : vector<16xf32>
        %ne3A_451 = arith.cmpi ne, %add3A_439, %add3A_116 : vector<16xi32>
        %and3A_452 = arith.andi %le3A_450, %ne3A_451 : vector<16xi1>
        %convert_element_type3A_453 = arith.extui %and3A_452 : vector<16xi1> to vector<16xi32>
        %broadcast_in_dim3A_454 = arith.constant true
        %broadcast_in_dim3A_455 = vector.broadcast %broadcast_in_dim3A_454 : i1 to vector<16xi1>
        %masked_cumsum3A_456 = tpu.scan <sum>, %convert_element_type3A_453 masked %broadcast_in_dim3A_455 : vector<16xi32>, vector<16xi1> -> vector<16xi32>
        %add3A_457 = arith.addi %add3A_422, %masked_cumsum3A_456 : vector<16xi32>
        %sub3A_458 = arith.constant 1 : i32
        %sub3A_459 = vector.broadcast %sub3A_458 : i32 to vector<16xi32>
        %sub3A_460 = arith.subi %add3A_457, %sub3A_459 : vector<16xi32>
        %scatter3A_461 = arith.constant 0 : i32
        %scatter3A_462 = arith.constant 0 : i32
        %scatter3A_463 = tpu.memref_slice %arg20[%scatter3A_461, %scatter3A_462] : memref<2x128xi32, #tpu.memory_space<vmem>> -> memref<1x128xi32, #tpu.memory_space<vmem>>
        %scatter3A_464 = tpu.memref_squeeze %scatter3A_463 : memref<1x128xi32, #tpu.memory_space<vmem>> -> memref<128xi32, #tpu.memory_space<vmem>>
        tpu.vector_store_idx %scatter3A_464[%sub3A_460], %add3A_439 masked %and3A_452 : memref<128xi32, #tpu.memory_space<vmem>>[vector<16xi32>], vector<16xi32>, vector<16xi1>
        %all_reduce_population_count3A_465 = tpu.all_reduce %and3A_452 {dim = 0 : i64, kind = #tpu.reduction_kind<sum>} : vector<16xi1> -> vector<16xi32>
        %add3A_466 = arith.addi %add3A_422, %all_reduce_population_count3A_465 : vector<16xi32>
        %add3A_467 = arith.constant 1 : i32
        %add3A_468 = arith.addi %while3A_291, %add3A_467 : i32
        %reduce_max3A = arith.constant true
        %reduce_max3A_469 = vector.broadcast %reduce_max3A : i1 to vector<16xi1>
        %reduce_max3A_470 = arith.constant -2147483648 : i32
        %reduce_max3A_471 = vector.broadcast %reduce_max3A_470 : i32 to vector<16xi32>
        %reduce_max3A_472 = arith.xori %add3A_466, %reduce_max3A_471 : vector<16xi32>
        %reduce_max3A_473 = tpu.scan <max>, %reduce_max3A_472 masked %reduce_max3A_469 : vector<16xi32>, vector<16xi1> -> vector<16xi32>
        %reduce_max3A_474 = arith.xori %reduce_max3A_473, %reduce_max3A_471 : vector<16xi32>
        %reduce_max3A_475 = vector.extract %reduce_max3A_474[15] : i32 from vector<16xi32>
        scf.yield %add3A_468, %reduce_max3A_475, %add3A_466 : i32, i32, vector<16xi32>
      }
      %min3A = arith.constant 64 : i32
      %min3A_152 = arith.minsi %while3A_151#1, %min3A : i32
      %dma_start3A = arith.constant 0 : i32
      %dma_start3A_153 = arith.constant 0 : i32
      %dma_start3A_154 = arith.constant 0 : i32
      %dma_start3A_155 = arith.constant 0 : i32
      %dma_start3A_156 = tpu.memref_slice %arg21[%dma_start3A_153, %dma_start3A_154, %dma_start3A_155] : memref<2x64x128xf32, #tpu.memory_space<vmem>> -> memref<1x64x128xf32, #tpu.memory_space<vmem>>
      %dma_start3A_157 = tpu.memref_squeeze %dma_start3A_156 : memref<1x64x128xf32, #tpu.memory_space<vmem>> -> memref<64x128xf32, #tpu.memory_space<vmem>>
      %dma_start3A_158 = arith.constant 0 : i32
      %dma_start3A_159 = tpu.memref_slice %arg20[%dma_start3A, %dma_start3A_158] : memref<2x128xi32, #tpu.memory_space<vmem>> -> memref<1x64xi32, #tpu.memory_space<vmem>>
      %dma_start3A_160 = tpu.memref_squeeze %dma_start3A_159 : memref<1x64xi32, #tpu.memory_space<vmem>> -> memref<64xi32, #tpu.memory_space<vmem>>
      %dma_start3A_161 = arith.constant 0 : i32
      %dma_start3A_162 = arith.constant 0 : i32
      %dma_start3A_163 = tpu.memref_slice %arg10[%dma_start3A_161, %dma_start3A_162] : memref<32768x128xf32, #tpu.memory_space<hbm>> -> memref<32768x128xf32, #tpu.memory_space<hbm>>
      tpu.enqueue_indirect_dma source(%dma_start3A_163 : memref<32768x128xf32, #tpu.memory_space<hbm>>) target(%dma_start3A_157 : memref<64x128xf32, #tpu.memory_space<vmem>>) offsets(%dma_start3A_160 : memref<64xi32, #tpu.memory_space<vmem>>) semaphore(%arg24 : memref<!tpu.dma_semaphore, #tpu.memory_space<semaphore_mem>>)
      %scan3A_164 = arith.constant 1 : i32
      %scan3A_165 = arith.constant 63 : i32
      %scan3A_166 = arith.addi %scan3A_164, %scan3A_165 : i32
      %scan3A_167 = arith.constant 1 : i32
      %scan3A_168 = scf.for %scan3A_291 = %scan3A_164 to %scan3A_166 step %scan3A_167 iter_args(%scan3A_292 = %min3A_152) -> (i32)  : i32 {
        %jit3A_293 = arith.constant 2 : i32
        %eq3A_294 = arith.constant 0 : i32
        %eq3A_295 = arith.cmpi eq, %jit3A_293, %eq3A_294 : i32
        %jit3A_296 = arith.constant 1 : i32
        %select_n3A_297 = arith.select %eq3A_295, %jit3A_296, %jit3A_293 : i32
        %rem3A_298 = arith.remsi %scan3A_291, %select_n3A_297 : i32
        %ne3A_299 = arith.constant 0 : i32
        %ne3A_300 = arith.cmpi ne, %rem3A_298, %ne3A_299 : i32
        %lt3A = arith.constant 0 : i32
        %lt3A_301 = arith.cmpi slt, %rem3A_298, %lt3A : i32
        %lt3A_302 = arith.constant 0 : i32
        %lt3A_303 = arith.cmpi slt, %select_n3A_297, %lt3A_302 : i32
        %ne3A_304 = arith.xori %lt3A_301, %lt3A_303 : i1
        %and3A_305 = arith.andi %ne3A_304, %ne3A_300 : i1
        %add3A_306 = arith.addi %rem3A_298, %select_n3A_297 : i32
        %select_n3A_307 = arith.select %and3A_305, %add3A_306, %rem3A_298 : i32
        %sub3A_308 = arith.constant 1 : i32
        %sub3A_309 = arith.subi %sub3A_308, %select_n3A_307 : i32
        %mul3A_310 = arith.constant 64 : i32
        %mul3A_311 = arith.muli %scan3A_29, %mul3A_310 : i32
        %add3A_312 = arith.addi %mul3A_311, %scan3A_291 : i32
        %jit3A_313 = arith.constant 16 : i32
        %div3A_314 = arith.divsi %add3A_312, %jit3A_313 : i32
        %sign3A_315 = arith.constant 0 : i32
        %sign3A_316 = arith.cmpi sgt, %add3A_312, %sign3A_315 : i32
        %sign3A_317 = arith.extui %sign3A_316 : i1 to i32
        %sign3A_318 = arith.constant 0 : i32
        %sign3A_319 = arith.cmpi slt, %add3A_312, %sign3A_318 : i32
        %sign3A_320 = arith.extui %sign3A_319 : i1 to i32
        %sign3A_321 = arith.subi %sign3A_317, %sign3A_320 : i32
        %sign3A_322 = arith.constant 0 : i32
        %sign3A_323 = arith.cmpi sgt, %jit3A_313, %sign3A_322 : i32
        %sign3A_324 = arith.extui %sign3A_323 : i1 to i32
        %sign3A_325 = arith.constant 0 : i32
        %sign3A_326 = arith.cmpi slt, %jit3A_313, %sign3A_325 : i32
        %sign3A_327 = arith.extui %sign3A_326 : i1 to i32
        %sign3A_328 = arith.subi %sign3A_324, %sign3A_327 : i32
        %ne3A_329 = arith.cmpi ne, %sign3A_321, %sign3A_328 : i32
        %rem3A_330 = arith.remsi %add3A_312, %jit3A_313 : i32
        %ne3A_331 = arith.constant 0 : i32
        %ne3A_332 = arith.cmpi ne, %rem3A_330, %ne3A_331 : i32
        %and3A_333 = arith.andi %ne3A_329, %ne3A_332 : i1
        %sub3A_334 = arith.constant 1 : i32
        %sub3A_335 = arith.subi %div3A_314, %sub3A_334 : i32
        %select_n3A_336 = arith.select %and3A_333, %sub3A_335, %div3A_314 : i32
        %mul3A_337 = arith.constant 16 : i32
        %mul3A_338 = arith.muli %select_n3A_336, %mul3A_337 : i32
        %sub3A_339 = arith.subi %add3A_312, %mul3A_338 : i32
        %mul3A_340 = arith.constant 16 : i32
        %mul3A_341 = arith.muli %select_n3A_336, %mul3A_340 : i32
        %get3A_342 = arith.index_cast %mul3A_341 : i32 to index
        %get3A_343 = tpu.vector_load %arg15[%get3A_342] {strides = array<i32>} : memref<512xi32, #tpu.memory_space<vmem>>, vector<16xi32>,
        %broadcast_in_dim3A_344 = vector.broadcast %sub3A_339 : i32 to vector<16xi32>
        %eq3A_345 = arith.cmpi eq, %iota3A, %broadcast_in_dim3A_344 : vector<16xi32>
        %broadcast_in_dim3A_346 = arith.constant 0 : i32
        %broadcast_in_dim3A_347 = vector.broadcast %broadcast_in_dim3A_346 : i32 to vector<16xi32>
        %select_n3A_348 = arith.select %eq3A_345, %get3A_343, %broadcast_in_dim3A_347 : vector<16xi1>, vector<16xi32>
        %reduce_sum3A_349 = arith.constant true
        %reduce_sum3A_350 = vector.broadcast %reduce_sum3A_349 : i1 to vector<16xi1>
        %reduce_sum3A_351 = tpu.scan <sum>, %select_n3A_348 masked %reduce_sum3A_350 : vector<16xi32>, vector<16xi1> -> vector<16xi32>
        %reduce_sum3A_352 = vector.extract %reduce_sum3A_351[15] : i32 from vector<16xi32>
        %broadcast_in_dim3A_353 = vector.broadcast %reduce_sum3A_352 : i32 to vector<16xi32>
        %mul3A_354 = arith.constant 16 : i32
        %mul3A_355 = arith.muli %select_n3A_336, %mul3A_354 : i32
        %get3A_356 = arith.index_cast %mul3A_355 : i32 to index
        %get3A_357 = tpu.vector_load %arg16[%get3A_356] {strides = array<i32>} : memref<512xf32, #tpu.memory_space<vmem>>, vector<16xf32>,
        %broadcast_in_dim3A_358 = vector.broadcast %sub3A_339 : i32 to vector<16xi32>
        %eq3A_359 = arith.cmpi eq, %iota3A, %broadcast_in_dim3A_358 : vector<16xi32>
        %broadcast_in_dim3A_360 = arith.constant 0.000000e+00 : f32
        %broadcast_in_dim3A_361 = vector.broadcast %broadcast_in_dim3A_360 : f32 to vector<16xf32>
        %select_n3A_362 = arith.select %eq3A_359, %get3A_357, %broadcast_in_dim3A_361 : vector<16xi1>, vector<16xf32>
        %reduce_sum3A_363 = arith.constant true
        %reduce_sum3A_364 = vector.broadcast %reduce_sum3A_363 : i1 to vector<16xi1>
        %reduce_sum3A_365 = tpu.scan <sum>, %select_n3A_362 masked %reduce_sum3A_364 : vector<16xf32>, vector<16xi1> -> vector<16xf32>
        %reduce_sum3A_366 = vector.extract %reduce_sum3A_365[15] : f32 from vector<16xf32>
        %broadcast_in_dim3A_367 = vector.broadcast %reduce_sum3A_366 : f32 to vector<16xf32>
        %mul3A_368 = arith.constant 16 : i32
        %mul3A_369 = arith.muli %select_n3A_336, %mul3A_368 : i32
        %get3A_370 = arith.index_cast %mul3A_369 : i32 to index
        %get3A_371 = tpu.vector_load %arg17[%get3A_370] {strides = array<i32>} : memref<512xf32, #tpu.memory_space<vmem>>, vector<16xf32>,
        %broadcast_in_dim3A_372 = vector.broadcast %sub3A_339 : i32 to vector<16xi32>
        %eq3A_373 = arith.cmpi eq, %iota3A, %broadcast_in_dim3A_372 : vector<16xi32>
        %broadcast_in_dim3A_374 = arith.constant 0.000000e+00 : f32
        %broadcast_in_dim3A_375 = vector.broadcast %broadcast_in_dim3A_374 : f32 to vector<16xf32>
        %select_n3A_376 = arith.select %eq3A_373, %get3A_371, %broadcast_in_dim3A_375 : vector<16xi1>, vector<16xf32>
        %reduce_sum3A_377 = arith.constant true
        %reduce_sum3A_378 = vector.broadcast %reduce_sum3A_377 : i1 to vector<16xi1>
        %reduce_sum3A_379 = tpu.scan <sum>, %select_n3A_376 masked %reduce_sum3A_378 : vector<16xf32>, vector<16xi1> -> vector<16xf32>
        %reduce_sum3A_380 = vector.extract %reduce_sum3A_379[15] : f32 from vector<16xf32>
        %broadcast_in_dim3A_381 = vector.broadcast %reduce_sum3A_380 : f32 to vector<16xf32>
        %mul3A_382 = arith.constant 16 : i32
        %mul3A_383 = arith.muli %select_n3A_336, %mul3A_382 : i32
        %get3A_384 = arith.index_cast %mul3A_383 : i32 to index
        %get3A_385 = tpu.vector_load %arg18[%get3A_384] {strides = array<i32>} : memref<512xf32, #tpu.memory_space<vmem>>, vector<16xf32>,
        %broadcast_in_dim3A_386 = vector.broadcast %sub3A_339 : i32 to vector<16xi32>
        %eq3A_387 = arith.cmpi eq, %iota3A, %broadcast_in_dim3A_386 : vector<16xi32>
        %broadcast_in_dim3A_388 = arith.constant 0.000000e+00 : f32
        %broadcast_in_dim3A_389 = vector.broadcast %broadcast_in_dim3A_388 : f32 to vector<16xf32>
        %select_n3A_390 = arith.select %eq3A_387, %get3A_385, %broadcast_in_dim3A_389 : vector<16xi1>, vector<16xf32>
        %reduce_sum3A_391 = arith.constant true
        %reduce_sum3A_392 = vector.broadcast %reduce_sum3A_391 : i1 to vector<16xi1>
        %reduce_sum3A_393 = tpu.scan <sum>, %select_n3A_390 masked %reduce_sum3A_392 : vector<16xf32>, vector<16xi1> -> vector<16xf32>
        %reduce_sum3A_394 = vector.extract %reduce_sum3A_393[15] : f32 from vector<16xf32>
        %broadcast_in_dim3A_395 = vector.broadcast %reduce_sum3A_394 : f32 to vector<16xf32>
        %add3A_396 = arith.addi %broadcast_in_dim3A_353, %broadcast_in_dim3A_22 : vector<16xi32>
        %swap3A_397 = arith.index_cast %select_n3A_307 : i32 to index
        %swap3A_398 = arith.constant 0 : index
        %swap3A_399 = tpu.vector_load %arg20[%swap3A_397, %swap3A_398] {strides = array<i32>} : memref<2x128xi32, #tpu.memory_space<vmem>>, vector<16xi32>,
        tpu.vector_store %arg20[%swap3A_397, %swap3A_398], %add3A_396 {strides = array<i32>} : memref<2x128xi32, #tpu.memory_space<vmem>>, vector<16xi32>,
        %swap3A_400 = arith.index_cast %select_n3A_307 : i32 to index
        %swap3A_401 = arith.constant 16 : index
        %swap3A_402 = tpu.vector_load %arg20[%swap3A_400, %swap3A_401] {strides = array<i32>} : memref<2x128xi32, #tpu.memory_space<vmem>>, vector<16xi32>,
        tpu.vector_store %arg20[%swap3A_400, %swap3A_401], %add3A_396 {strides = array<i32>} : memref<2x128xi32, #tpu.memory_space<vmem>>, vector<16xi32>,
        %swap3A_403 = arith.index_cast %select_n3A_307 : i32 to index
        %swap3A_404 = arith.constant 32 : index
        %swap3A_405 = tpu.vector_load %arg20[%swap3A_403, %swap3A_404] {strides = array<i32>} : memref<2x128xi32, #tpu.memory_space<vmem>>, vector<16xi32>,
        tpu.vector_store %arg20[%swap3A_403, %swap3A_404], %add3A_396 {strides = array<i32>} : memref<2x128xi32, #tpu.memory_space<vmem>>, vector<16xi32>,
        %swap3A_406 = arith.index_cast %select_n3A_307 : i32 to index
        %swap3A_407 = arith.constant 48 : index
        %swap3A_408 = tpu.vector_load %arg20[%swap3A_406, %swap3A_407] {strides = array<i32>} : memref<2x128xi32, #tpu.memory_space<vmem>>, vector<16xi32>,
        tpu.vector_store %arg20[%swap3A_406, %swap3A_407], %add3A_396 {strides = array<i32>} : memref<2x128xi32, #tpu.memory_space<vmem>>, vector<16xi32>,
        %swap3A_409 = arith.index_cast %select_n3A_307 : i32 to index
        %swap3A_410 = arith.constant 64 : index
        %swap3A_411 = tpu.vector_load %arg20[%swap3A_409, %swap3A_410] {strides = array<i32>} : memref<2x128xi32, #tpu.memory_space<vmem>>, vector<16xi32>,
        tpu.vector_store %arg20[%swap3A_409, %swap3A_410], %add3A_396 {strides = array<i32>} : memref<2x128xi32, #tpu.memory_space<vmem>>, vector<16xi32>,
        %swap3A_412 = arith.index_cast %select_n3A_307 : i32 to index
        %swap3A_413 = arith.constant 80 : index
        %swap3A_414 = tpu.vector_load %arg20[%swap3A_412, %swap3A_413] {strides = array<i32>} : memref<2x128xi32, #tpu.memory_space<vmem>>, vector<16xi32>,
        tpu.vector_store %arg20[%swap3A_412, %swap3A_413], %add3A_396 {strides = array<i32>} : memref<2x128xi32, #tpu.memory_space<vmem>>, vector<16xi32>,
        %swap3A_415 = arith.index_cast %select_n3A_307 : i32 to index
        %swap3A_416 = arith.constant 96 : index
        %swap3A_417 = tpu.vector_load %arg20[%swap3A_415, %swap3A_416] {strides = array<i32>} : memref<2x128xi32, #tpu.memory_space<vmem>>, vector<16xi32>,
        tpu.vector_store %arg20[%swap3A_415, %swap3A_416], %add3A_396 {strides = array<i32>} : memref<2x128xi32, #tpu.memory_space<vmem>>, vector<16xi32>,
        %swap3A_418 = arith.index_cast %select_n3A_307 : i32 to index
        %swap3A_419 = arith.constant 112 : index
        %swap3A_420 = tpu.vector_load %arg20[%swap3A_418, %swap3A_419] {strides = array<i32>} : memref<2x128xi32, #tpu.memory_space<vmem>>, vector<16xi32>,
        tpu.vector_store %arg20[%swap3A_418, %swap3A_419], %add3A_396 {strides = array<i32>} : memref<2x128xi32, #tpu.memory_space<vmem>>, vector<16xi32>,
        %broadcast_in_dim3A_421 = arith.constant 0 : i32
        %broadcast_in_dim3A_422 = vector.broadcast %broadcast_in_dim3A_421 : i32 to vector<16xi32>
        %while3A_423 = arith.constant 0 : i32
        %while3A_424 = arith.constant 0 : i32
        %while3A_425:3 = scf.while (%while3A_541 = %while3A_423, %while3A_542 = %while3A_424, %while3A_543 = %broadcast_in_dim3A_422) : (i32, i32, vector<16xi32>) -> (i32, i32, vector<16xi32>) {
          %lt3A_544 = arith.constant 64 : i32
          %lt3A_545 = arith.cmpi slt, %while3A_541, %lt3A_544 : i32
          %lt3A_546 = arith.constant 64 : i32
          %lt3A_547 = arith.cmpi slt, %while3A_542, %lt3A_546 : i32
          %and3A_548 = arith.andi %lt3A_545, %lt3A_547 : i1
          scf.condition(%and3A_548) %while3A_541, %while3A_542, %while3A_543 : i32, i32, vector<16xi32>
        } do {
        ^bb0(%while3A_541: i32, %while3A_542: i32, %while3A_543: vector<16xi32>):
          %mul3A_544 = arith.constant 64 : i32
          %mul3A_545 = arith.muli %while3A_541, %mul3A_544 : i32
          %add3A_546 = arith.constant 0 : i32
          %add3A_547 = arith.addi %mul3A_545, %add3A_546 : i32
          %get3A_548 = arith.index_cast %add3A_547 : i32 to index
          %get3A_549 = tpu.vector_load %arg12[%get3A_548] {strides = array<i32>} : memref<4096xf32, #tpu.memory_space<vmem>>, vector<16xf32>,
          %add3A_550 = arith.constant 0 : i32
          %add3A_551 = arith.addi %mul3A_545, %add3A_550 : i32
          %get3A_552 = arith.index_cast %add3A_551 : i32 to index
          %get3A_553 = tpu.vector_load %arg13[%get3A_552] {strides = array<i32>} : memref<4096xf32, #tpu.memory_space<vmem>>, vector<16xf32>,
          %add3A_554 = arith.constant 0 : i32
          %add3A_555 = arith.addi %mul3A_545, %add3A_554 : i32
          %get3A_556 = arith.index_cast %add3A_555 : i32 to index
          %get3A_557 = tpu.vector_load %arg14[%get3A_556] {strides = array<i32>} : memref<4096xf32, #tpu.memory_space<vmem>>, vector<16xf32>,
          %add3A_558 = arith.addi %mul3A_20, %mul3A_545 : i32
          %add3A_559 = arith.constant 0 : i32
          %add3A_560 = arith.addi %add3A_558, %add3A_559 : i32
          %broadcast_in_dim3A_561 = vector.broadcast %add3A_560 : i32 to vector<16xi32>
          %add3A_562 = arith.addi %broadcast_in_dim3A_561, %iota3A : vector<16xi32>
          %sub3A_563 = arith.subf %get3A_549, %broadcast_in_dim3A_367 : vector<16xf32>
          %sub3A_564 = arith.subf %get3A_553, %broadcast_in_dim3A_381 : vector<16xf32>
          %sub3A_565 = arith.subf %get3A_557, %broadcast_in_dim3A_395 : vector<16xf32>
          %mul3A_566 = arith.mulf %sub3A_563, %sub3A_563 : vector<16xf32>
          %mul3A_567 = arith.mulf %sub3A_564, %sub3A_564 : vector<16xf32>
          %add3A_568 = arith.addf %mul3A_566, %mul3A_567 : vector<16xf32>
          %mul3A_569 = arith.mulf %sub3A_565, %sub3A_565 : vector<16xf32>
          %add3A_570 = arith.addf %add3A_568, %mul3A_569 : vector<16xf32>
          %le3A = arith.constant 4.000000e-02 : f32
          %le3A_571 = vector.broadcast %le3A : f32 to vector<16xf32>
          %le3A_572 = arith.cmpf ole, %add3A_570, %le3A_571 : vector<16xf32>
          %ne3A_573 = arith.cmpi ne, %add3A_562, %add3A_396 : vector<16xi32>
          %and3A_574 = arith.andi %le3A_572, %ne3A_573 : vector<16xi1>
          %convert_element_type3A = arith.extui %and3A_574 : vector<16xi1> to vector<16xi32>
          %broadcast_in_dim3A_575 = arith.constant true
          %broadcast_in_dim3A_576 = vector.broadcast %broadcast_in_dim3A_575 : i1 to vector<16xi1>
          %masked_cumsum3A = tpu.scan <sum>, %convert_element_type3A masked %broadcast_in_dim3A_576 : vector<16xi32>, vector<16xi1> -> vector<16xi32>
          %add3A_577 = arith.addi %while3A_543, %masked_cumsum3A : vector<16xi32>
          %sub3A_578 = arith.constant 1 : i32
          %sub3A_579 = vector.broadcast %sub3A_578 : i32 to vector<16xi32>
          %sub3A_580 = arith.subi %add3A_577, %sub3A_579 : vector<16xi32>
          %scatter3A = arith.constant 0 : i32
          %scatter3A_581 = tpu.memref_slice %arg20[%select_n3A_307, %scatter3A] : memref<2x128xi32, #tpu.memory_space<vmem>> -> memref<1x128xi32, #tpu.memory_space<vmem>>
          %scatter3A_582 = tpu.memref_squeeze %scatter3A_581 : memref<1x128xi32, #tpu.memory_space<vmem>> -> memref<128xi32, #tpu.memory_space<vmem>>
          tpu.vector_store_idx %scatter3A_582[%sub3A_580], %add3A_562 masked %and3A_574 : memref<128xi32, #tpu.memory_space<vmem>>[vector<16xi32>], vector<16xi32>, vector<16xi1>
          %all_reduce_population_count3A = tpu.all_reduce %and3A_574 {dim = 0 : i64, kind = #tpu.reduction_kind<sum>} : vector<16xi1> -> vector<16xi32>
          %add3A_583 = arith.addi %while3A_543, %all_reduce_population_count3A : vector<16xi32>
          %add3A_584 = arith.constant 16 : i32
          %add3A_585 = arith.addi %mul3A_545, %add3A_584 : i32
          %get3A_586 = arith.index_cast %add3A_585 : i32 to index
          %get3A_587 = tpu.vector_load %arg12[%get3A_586] {strides = array<i32>} : memref<4096xf32, #tpu.memory_space<vmem>>, vector<16xf32>,
          %add3A_588 = arith.constant 16 : i32
          %add3A_589 = arith.addi %mul3A_545, %add3A_588 : i32
          %get3A_590 = arith.index_cast %add3A_589 : i32 to index
          %get3A_591 = tpu.vector_load %arg13[%get3A_590] {strides = array<i32>} : memref<4096xf32, #tpu.memory_space<vmem>>, vector<16xf32>,
          %add3A_592 = arith.constant 16 : i32
          %add3A_593 = arith.addi %mul3A_545, %add3A_592 : i32
          %get3A_594 = arith.index_cast %add3A_593 : i32 to index
          %get3A_595 = tpu.vector_load %arg14[%get3A_594] {strides = array<i32>} : memref<4096xf32, #tpu.memory_space<vmem>>, vector<16xf32>,
          %add3A_596 = arith.addi %mul3A_20, %mul3A_545 : i32
          %add3A_597 = arith.constant 16 : i32
          %add3A_598 = arith.addi %add3A_596, %add3A_597 : i32
          %broadcast_in_dim3A_599 = vector.broadcast %add3A_598 : i32 to vector<16xi32>
          %add3A_600 = arith.addi %broadcast_in_dim3A_599, %iota3A : vector<16xi32>
          %sub3A_601 = arith.subf %get3A_587, %broadcast_in_dim3A_367 : vector<16xf32>
          %sub3A_602 = arith.subf %get3A_591, %broadcast_in_dim3A_381 : vector<16xf32>
          %sub3A_603 = arith.subf %get3A_595, %broadcast_in_dim3A_395 : vector<16xf32>
          %mul3A_604 = arith.mulf %sub3A_601, %sub3A_601 : vector<16xf32>
          %mul3A_605 = arith.mulf %sub3A_602, %sub3A_602 : vector<16xf32>
          %add3A_606 = arith.addf %mul3A_604, %mul3A_605 : vector<16xf32>
          %mul3A_607 = arith.mulf %sub3A_603, %sub3A_603 : vector<16xf32>
          %add3A_608 = arith.addf %add3A_606, %mul3A_607 : vector<16xf32>
          %le3A_609 = arith.constant 4.000000e-02 : f32
          %le3A_610 = vector.broadcast %le3A_609 : f32 to vector<16xf32>
          %le3A_611 = arith.cmpf ole, %add3A_608, %le3A_610 : vector<16xf32>
          %ne3A_612 = arith.cmpi ne, %add3A_600, %add3A_396 : vector<16xi32>
          %and3A_613 = arith.andi %le3A_611, %ne3A_612 : vector<16xi1>
          %convert_element_type3A_614 = arith.extui %and3A_613 : vector<16xi1> to vector<16xi32>
          %broadcast_in_dim3A_615 = arith.constant true
          %broadcast_in_dim3A_616 = vector.broadcast %broadcast_in_dim3A_615 : i1 to vector<16xi1>
          %masked_cumsum3A_617 = tpu.scan <sum>, %convert_element_type3A_614 masked %broadcast_in_dim3A_616 : vector<16xi32>, vector<16xi1> -> vector<16xi32>
          %add3A_618 = arith.addi %add3A_583, %masked_cumsum3A_617 : vector<16xi32>
          %sub3A_619 = arith.constant 1 : i32
          %sub3A_620 = vector.broadcast %sub3A_619 : i32 to vector<16xi32>
          %sub3A_621 = arith.subi %add3A_618, %sub3A_620 : vector<16xi32>
          %scatter3A_622 = arith.constant 0 : i32
          %scatter3A_623 = tpu.memref_slice %arg20[%select_n3A_307, %scatter3A_622] : memref<2x128xi32, #tpu.memory_space<vmem>> -> memref<1x128xi32, #tpu.memory_space<vmem>>
          %scatter3A_624 = tpu.memref_squeeze %scatter3A_623 : memref<1x128xi32, #tpu.memory_space<vmem>> -> memref<128xi32, #tpu.memory_space<vmem>>
          tpu.vector_store_idx %scatter3A_624[%sub3A_621], %add3A_600 masked %and3A_613 : memref<128xi32, #tpu.memory_space<vmem>>[vector<16xi32>], vector<16xi32>, vector<16xi1>
          %all_reduce_population_count3A_625 = tpu.all_reduce %and3A_613 {dim = 0 : i64, kind = #tpu.reduction_kind<sum>} : vector<16xi1> -> vector<16xi32>
          %add3A_626 = arith.addi %add3A_583, %all_reduce_population_count3A_625 : vector<16xi32>
          %add3A_627 = arith.constant 32 : i32
          %add3A_628 = arith.addi %mul3A_545, %add3A_627 : i32
          %get3A_629 = arith.index_cast %add3A_628 : i32 to index
          %get3A_630 = tpu.vector_load %arg12[%get3A_629] {strides = array<i32>} : memref<4096xf32, #tpu.memory_space<vmem>>, vector<16xf32>,
          %add3A_631 = arith.constant 32 : i32
          %add3A_632 = arith.addi %mul3A_545, %add3A_631 : i32
          %get3A_633 = arith.index_cast %add3A_632 : i32 to index
          %get3A_634 = tpu.vector_load %arg13[%get3A_633] {strides = array<i32>} : memref<4096xf32, #tpu.memory_space<vmem>>, vector<16xf32>,
          %add3A_635 = arith.constant 32 : i32
          %add3A_636 = arith.addi %mul3A_545, %add3A_635 : i32
          %get3A_637 = arith.index_cast %add3A_636 : i32 to index
          %get3A_638 = tpu.vector_load %arg14[%get3A_637] {strides = array<i32>} : memref<4096xf32, #tpu.memory_space<vmem>>, vector<16xf32>,
          %add3A_639 = arith.addi %mul3A_20, %mul3A_545 : i32
          %add3A_640 = arith.constant 32 : i32
          %add3A_641 = arith.addi %add3A_639, %add3A_640 : i32
          %broadcast_in_dim3A_642 = vector.broadcast %add3A_641 : i32 to vector<16xi32>
          %add3A_643 = arith.addi %broadcast_in_dim3A_642, %iota3A : vector<16xi32>
          %sub3A_644 = arith.subf %get3A_630, %broadcast_in_dim3A_367 : vector<16xf32>
          %sub3A_645 = arith.subf %get3A_634, %broadcast_in_dim3A_381 : vector<16xf32>
          %sub3A_646 = arith.subf %get3A_638, %broadcast_in_dim3A_395 : vector<16xf32>
          %mul3A_647 = arith.mulf %sub3A_644, %sub3A_644 : vector<16xf32>
          %mul3A_648 = arith.mulf %sub3A_645, %sub3A_645 : vector<16xf32>
          %add3A_649 = arith.addf %mul3A_647, %mul3A_648 : vector<16xf32>
          %mul3A_650 = arith.mulf %sub3A_646, %sub3A_646 : vector<16xf32>
          %add3A_651 = arith.addf %add3A_649, %mul3A_650 : vector<16xf32>
          %le3A_652 = arith.constant 4.000000e-02 : f32
          %le3A_653 = vector.broadcast %le3A_652 : f32 to vector<16xf32>
          %le3A_654 = arith.cmpf ole, %add3A_651, %le3A_653 : vector<16xf32>
          %ne3A_655 = arith.cmpi ne, %add3A_643, %add3A_396 : vector<16xi32>
          %and3A_656 = arith.andi %le3A_654, %ne3A_655 : vector<16xi1>
          %convert_element_type3A_657 = arith.extui %and3A_656 : vector<16xi1> to vector<16xi32>
          %broadcast_in_dim3A_658 = arith.constant true
          %broadcast_in_dim3A_659 = vector.broadcast %broadcast_in_dim3A_658 : i1 to vector<16xi1>
          %masked_cumsum3A_660 = tpu.scan <sum>, %convert_element_type3A_657 masked %broadcast_in_dim3A_659 : vector<16xi32>, vector<16xi1> -> vector<16xi32>
          %add3A_661 = arith.addi %add3A_626, %masked_cumsum3A_660 : vector<16xi32>
          %sub3A_662 = arith.constant 1 : i32
          %sub3A_663 = vector.broadcast %sub3A_662 : i32 to vector<16xi32>
          %sub3A_664 = arith.subi %add3A_661, %sub3A_663 : vector<16xi32>
          %scatter3A_665 = arith.constant 0 : i32
          %scatter3A_666 = tpu.memref_slice %arg20[%select_n3A_307, %scatter3A_665] : memref<2x128xi32, #tpu.memory_space<vmem>> -> memref<1x128xi32, #tpu.memory_space<vmem>>
          %scatter3A_667 = tpu.memref_squeeze %scatter3A_666 : memref<1x128xi32, #tpu.memory_space<vmem>> -> memref<128xi32, #tpu.memory_space<vmem>>
          tpu.vector_store_idx %scatter3A_667[%sub3A_664], %add3A_643 masked %and3A_656 : memref<128xi32, #tpu.memory_space<vmem>>[vector<16xi32>], vector<16xi32>, vector<16xi1>
          %all_reduce_population_count3A_668 = tpu.all_reduce %and3A_656 {dim = 0 : i64, kind = #tpu.reduction_kind<sum>} : vector<16xi1> -> vector<16xi32>
          %add3A_669 = arith.addi %add3A_626, %all_reduce_population_count3A_668 : vector<16xi32>
          %add3A_670 = arith.constant 48 : i32
          %add3A_671 = arith.addi %mul3A_545, %add3A_670 : i32
          %get3A_672 = arith.index_cast %add3A_671 : i32 to index
          %get3A_673 = tpu.vector_load %arg12[%get3A_672] {strides = array<i32>} : memref<4096xf32, #tpu.memory_space<vmem>>, vector<16xf32>,
          %add3A_674 = arith.constant 48 : i32
          %add3A_675 = arith.addi %mul3A_545, %add3A_674 : i32
          %get3A_676 = arith.index_cast %add3A_675 : i32 to index
          %get3A_677 = tpu.vector_load %arg13[%get3A_676] {strides = array<i32>} : memref<4096xf32, #tpu.memory_space<vmem>>, vector<16xf32>,
          %add3A_678 = arith.constant 48 : i32
          %add3A_679 = arith.addi %mul3A_545, %add3A_678 : i32
          %get3A_680 = arith.index_cast %add3A_679 : i32 to index
          %get3A_681 = tpu.vector_load %arg14[%get3A_680] {strides = array<i32>} : memref<4096xf32, #tpu.memory_space<vmem>>, vector<16xf32>,
          %add3A_682 = arith.addi %mul3A_20, %mul3A_545 : i32
          %add3A_683 = arith.constant 48 : i32
          %add3A_684 = arith.addi %add3A_682, %add3A_683 : i32
          %broadcast_in_dim3A_685 = vector.broadcast %add3A_684 : i32 to vector<16xi32>
          %add3A_686 = arith.addi %broadcast_in_dim3A_685, %iota3A : vector<16xi32>
          %sub3A_687 = arith.subf %get3A_673, %broadcast_in_dim3A_367 : vector<16xf32>
          %sub3A_688 = arith.subf %get3A_677, %broadcast_in_dim3A_381 : vector<16xf32>
          %sub3A_689 = arith.subf %get3A_681, %broadcast_in_dim3A_395 : vector<16xf32>
          %mul3A_690 = arith.mulf %sub3A_687, %sub3A_687 : vector<16xf32>
          %mul3A_691 = arith.mulf %sub3A_688, %sub3A_688 : vector<16xf32>
          %add3A_692 = arith.addf %mul3A_690, %mul3A_691 : vector<16xf32>
          %mul3A_693 = arith.mulf %sub3A_689, %sub3A_689 : vector<16xf32>
          %add3A_694 = arith.addf %add3A_692, %mul3A_693 : vector<16xf32>
          %le3A_695 = arith.constant 4.000000e-02 : f32
          %le3A_696 = vector.broadcast %le3A_695 : f32 to vector<16xf32>
          %le3A_697 = arith.cmpf ole, %add3A_694, %le3A_696 : vector<16xf32>
          %ne3A_698 = arith.cmpi ne, %add3A_686, %add3A_396 : vector<16xi32>
          %and3A_699 = arith.andi %le3A_697, %ne3A_698 : vector<16xi1>
          %convert_element_type3A_700 = arith.extui %and3A_699 : vector<16xi1> to vector<16xi32>
          %broadcast_in_dim3A_701 = arith.constant true
          %broadcast_in_dim3A_702 = vector.broadcast %broadcast_in_dim3A_701 : i1 to vector<16xi1>
          %masked_cumsum3A_703 = tpu.scan <sum>, %convert_element_type3A_700 masked %broadcast_in_dim3A_702 : vector<16xi32>, vector<16xi1> -> vector<16xi32>
          %add3A_704 = arith.addi %add3A_669, %masked_cumsum3A_703 : vector<16xi32>
          %sub3A_705 = arith.constant 1 : i32
          %sub3A_706 = vector.broadcast %sub3A_705 : i32 to vector<16xi32>
          %sub3A_707 = arith.subi %add3A_704, %sub3A_706 : vector<16xi32>
          %scatter3A_708 = arith.constant 0 : i32
          %scatter3A_709 = tpu.memref_slice %arg20[%select_n3A_307, %scatter3A_708] : memref<2x128xi32, #tpu.memory_space<vmem>> -> memref<1x128xi32, #tpu.memory_space<vmem>>
          %scatter3A_710 = tpu.memref_squeeze %scatter3A_709 : memref<1x128xi32, #tpu.memory_space<vmem>> -> memref<128xi32, #tpu.memory_space<vmem>>
          tpu.vector_store_idx %scatter3A_710[%sub3A_707], %add3A_686 masked %and3A_699 : memref<128xi32, #tpu.memory_space<vmem>>[vector<16xi32>], vector<16xi32>, vector<16xi1>
          %all_reduce_population_count3A_711 = tpu.all_reduce %and3A_699 {dim = 0 : i64, kind = #tpu.reduction_kind<sum>} : vector<16xi1> -> vector<16xi32>
          %add3A_712 = arith.addi %add3A_669, %all_reduce_population_count3A_711 : vector<16xi32>
          %add3A_713 = arith.constant 1 : i32
          %add3A_714 = arith.addi %while3A_541, %add3A_713 : i32
          %reduce_max3A = arith.constant true
          %reduce_max3A_715 = vector.broadcast %reduce_max3A : i1 to vector<16xi1>
          %reduce_max3A_716 = arith.constant -2147483648 : i32
          %reduce_max3A_717 = vector.broadcast %reduce_max3A_716 : i32 to vector<16xi32>
          %reduce_max3A_718 = arith.xori %add3A_712, %reduce_max3A_717 : vector<16xi32>
          %reduce_max3A_719 = tpu.scan <max>, %reduce_max3A_718 masked %reduce_max3A_715 : vector<16xi32>, vector<16xi1> -> vector<16xi32>
          %reduce_max3A_720 = arith.xori %reduce_max3A_719, %reduce_max3A_717 : vector<16xi32>
          %reduce_max3A_721 = vector.extract %reduce_max3A_720[15] : i32 from vector<16xi32>
          scf.yield %add3A_714, %reduce_max3A_721, %add3A_712 : i32, i32, vector<16xi32>
        }
        %min3A_426 = arith.constant 64 : i32
        %min3A_427 = arith.minsi %while3A_425#1, %min3A_426 : i32
        %dma_wait3A_428 = arith.constant 0 : i32
        %dma_wait3A_429 = arith.constant 0 : i32
        %dma_wait3A_430 = tpu.memref_slice %arg21[%sub3A_309, %dma_wait3A_428, %dma_wait3A_429] : memref<2x64x128xf32, #tpu.memory_space<vmem>> -> memref<1x64x128xf32, #tpu.memory_space<vmem>>
        %dma_wait3A_431 = tpu.memref_squeeze %dma_wait3A_430 : memref<1x64x128xf32, #tpu.memory_space<vmem>> -> memref<64x128xf32, #tpu.memory_space<vmem>>
        %dma_wait3A_432 = arith.constant 0 : i32
        %dma_wait3A_433 = tpu.memref_slice %arg20[%sub3A_309, %dma_wait3A_432] : memref<2x128xi32, #tpu.memory_space<vmem>> -> memref<1x64xi32, #tpu.memory_space<vmem>>
        %dma_wait3A_434 = tpu.memref_squeeze %dma_wait3A_433 : memref<1x64xi32, #tpu.memory_space<vmem>> -> memref<64xi32, #tpu.memory_space<vmem>>
        %dma_wait3A_435 = arith.constant 0 : i32
        %dma_wait3A_436 = arith.constant 0 : i32
        %dma_wait3A_437 = tpu.memref_slice %arg10[%dma_wait3A_435, %dma_wait3A_436] : memref<32768x128xf32, #tpu.memory_space<hbm>> -> memref<32768x128xf32, #tpu.memory_space<hbm>>
        tpu.wait_indirect_dma semaphore(%arg24 : memref<!tpu.dma_semaphore, #tpu.memory_space<semaphore_mem>>) src(%dma_wait3A_437 : memref<32768x128xf32, #tpu.memory_space<hbm>>) dst(%dma_wait3A_431 : memref<64x128xf32, #tpu.memory_space<vmem>>)
        %dma_start3A_438 = arith.constant 0 : i32
        %dma_start3A_439 = arith.constant 0 : i32
        %dma_start3A_440 = tpu.memref_slice %arg21[%select_n3A_307, %dma_start3A_438, %dma_start3A_439] : memref<2x64x128xf32, #tpu.memory_space<vmem>> -> memref<1x64x128xf32, #tpu.memory_space<vmem>>
        %dma_start3A_441 = tpu.memref_squeeze %dma_start3A_440 : memref<1x64x128xf32, #tpu.memory_space<vmem>> -> memref<64x128xf32, #tpu.memory_space<vmem>>
        %dma_start3A_442 = arith.constant 0 : i32
        %dma_start3A_443 = tpu.memref_slice %arg20[%select_n3A_307, %dma_start3A_442] : memref<2x128xi32, #tpu.memory_space<vmem>> -> memref<1x64xi32, #tpu.memory_space<vmem>>
        %dma_start3A_444 = tpu.memref_squeeze %dma_start3A_443 : memref<1x64xi32, #tpu.memory_space<vmem>> -> memref<64xi32, #tpu.memory_space<vmem>>
        %dma_start3A_445 = arith.constant 0 : i32
        %dma_start3A_446 = arith.constant 0 : i32
        %dma_start3A_447 = tpu.memref_slice %arg10[%dma_start3A_445, %dma_start3A_446] : memref<32768x128xf32, #tpu.memory_space<hbm>> -> memref<32768x128xf32, #tpu.memory_space<hbm>>
        tpu.enqueue_indirect_dma source(%dma_start3A_447 : memref<32768x128xf32, #tpu.memory_space<hbm>>) target(%dma_start3A_441 : memref<64x128xf32, #tpu.memory_space<vmem>>) offsets(%dma_start3A_444 : memref<64xi32, #tpu.memory_space<vmem>>) semaphore(%arg24 : memref<!tpu.dma_semaphore, #tpu.memory_space<semaphore_mem>>)
        %sub3A_448 = arith.constant 1 : i32
        %sub3A_449 = arith.subi %scan3A_291, %sub3A_448 : i32
        %while3A_450 = arith.constant 0 : i32
        %while3A_451 = arith.subi %scan3A_292, %while3A_450 : i32
        %while3A_452 = arith.addi %while3A_450, %while3A_451 : i32
        %while3A_453 = arith.constant 1 : i32
        %while3A_454 = arith.divsi %while3A_451, %while3A_453 : i32
        %while3A_455 = arith.muli %while3A_454, %while3A_453 : i32
        %while3A_456 = arith.addi %while3A_450, %while3A_455 : i32
        %while3A_457 = arith.constant 1 : i32
        %while3A_458:8 = scf.for %while3A_541 = %while3A_450 to %while3A_456 step %while3A_457 iter_args(%while3A_542 = %broadcast_in_dim3A_21, %while3A_543 = %broadcast_in_dim3A_21, %while3A_544 = %broadcast_in_dim3A_21, %while3A_545 = %broadcast_in_dim3A_21, %while3A_546 = %broadcast_in_dim3A_21, %while3A_547 = %broadcast_in_dim3A_21, %while3A_548 = %broadcast_in_dim3A_21, %while3A_549 = %broadcast_in_dim3A_21) -> (vector<16xf32>, vector<16xf32>, vector<16xf32>, vector<16xf32>, vector<16xf32>, vector<16xf32>, vector<16xf32>, vector<16xf32>)  : i32 {
          %get3A_550 = arith.index_cast %sub3A_309 : i32 to index
          %get3A_551 = arith.index_cast %while3A_541 : i32 to index
          %get3A_552 = arith.constant 0 : index
          %get3A_553 = tpu.vector_load %arg21[%get3A_550, %get3A_551, %get3A_552] {strides = array<i32>} : memref<2x64x128xf32, #tpu.memory_space<vmem>>, vector<16xf32>,
          %max3A_554 = arith.maximumf %while3A_542, %get3A_553 : vector<16xf32>
          %get3A_555 = arith.index_cast %sub3A_309 : i32 to index
          %get3A_556 = arith.index_cast %while3A_541 : i32 to index
          %get3A_557 = arith.constant 16 : index
          %get3A_558 = tpu.vector_load %arg21[%get3A_555, %get3A_556, %get3A_557] {strides = array<i32>} : memref<2x64x128xf32, #tpu.memory_space<vmem>>, vector<16xf32>,
          %max3A_559 = arith.maximumf %while3A_543, %get3A_558 : vector<16xf32>
          %get3A_560 = arith.index_cast %sub3A_309 : i32 to index
          %get3A_561 = arith.index_cast %while3A_541 : i32 to index
          %get3A_562 = arith.constant 32 : index
          %get3A_563 = tpu.vector_load %arg21[%get3A_560, %get3A_561, %get3A_562] {strides = array<i32>} : memref<2x64x128xf32, #tpu.memory_space<vmem>>, vector<16xf32>,
          %max3A_564 = arith.maximumf %while3A_544, %get3A_563 : vector<16xf32>
          %get3A_565 = arith.index_cast %sub3A_309 : i32 to index
          %get3A_566 = arith.index_cast %while3A_541 : i32 to index
          %get3A_567 = arith.constant 48 : index
          %get3A_568 = tpu.vector_load %arg21[%get3A_565, %get3A_566, %get3A_567] {strides = array<i32>} : memref<2x64x128xf32, #tpu.memory_space<vmem>>, vector<16xf32>,
          %max3A_569 = arith.maximumf %while3A_545, %get3A_568 : vector<16xf32>
          %get3A_570 = arith.index_cast %sub3A_309 : i32 to index
          %get3A_571 = arith.index_cast %while3A_541 : i32 to index
          %get3A_572 = arith.constant 64 : index
          %get3A_573 = tpu.vector_load %arg21[%get3A_570, %get3A_571, %get3A_572] {strides = array<i32>} : memref<2x64x128xf32, #tpu.memory_space<vmem>>, vector<16xf32>,
          %max3A_574 = arith.maximumf %while3A_546, %get3A_573 : vector<16xf32>
          %get3A_575 = arith.index_cast %sub3A_309 : i32 to index
          %get3A_576 = arith.index_cast %while3A_541 : i32 to index
          %get3A_577 = arith.constant 80 : index
          %get3A_578 = tpu.vector_load %arg21[%get3A_575, %get3A_576, %get3A_577] {strides = array<i32>} : memref<2x64x128xf32, #tpu.memory_space<vmem>>, vector<16xf32>,
          %max3A_579 = arith.maximumf %while3A_547, %get3A_578 : vector<16xf32>
          %get3A_580 = arith.index_cast %sub3A_309 : i32 to index
          %get3A_581 = arith.index_cast %while3A_541 : i32 to index
          %get3A_582 = arith.constant 96 : index
          %get3A_583 = tpu.vector_load %arg21[%get3A_580, %get3A_581, %get3A_582] {strides = array<i32>} : memref<2x64x128xf32, #tpu.memory_space<vmem>>, vector<16xf32>,
          %max3A_584 = arith.maximumf %while3A_548, %get3A_583 : vector<16xf32>
          %get3A_585 = arith.index_cast %sub3A_309 : i32 to index
          %get3A_586 = arith.index_cast %while3A_541 : i32 to index
          %get3A_587 = arith.constant 112 : index
          %get3A_588 = tpu.vector_load %arg21[%get3A_585, %get3A_586, %get3A_587] {strides = array<i32>} : memref<2x64x128xf32, #tpu.memory_space<vmem>>, vector<16xf32>,
          %max3A_589 = arith.maximumf %while3A_549, %get3A_588 : vector<16xf32>
          scf.yield %max3A_554, %max3A_559, %max3A_564, %max3A_569, %max3A_574, %max3A_579, %max3A_584, %max3A_589 : vector<16xf32>, vector<16xf32>, vector<16xf32>, vector<16xf32>, vector<16xf32>, vector<16xf32>, vector<16xf32>, vector<16xf32>
        }
        %while3A_459 = arith.constant 1 : i32
        %while3A_460:8 = scf.for %while3A_541 = %while3A_456 to %while3A_452 step %while3A_459 iter_args(%while3A_542 = %while3A_458#0, %while3A_543 = %while3A_458#1, %while3A_544 = %while3A_458#2, %while3A_545 = %while3A_458#3, %while3A_546 = %while3A_458#4, %while3A_547 = %while3A_458#5, %while3A_548 = %while3A_458#6, %while3A_549 = %while3A_458#7) -> (vector<16xf32>, vector<16xf32>, vector<16xf32>, vector<16xf32>, vector<16xf32>, vector<16xf32>, vector<16xf32>, vector<16xf32>)  : i32 {
          %get3A_550 = arith.index_cast %sub3A_309 : i32 to index
          %get3A_551 = arith.index_cast %while3A_541 : i32 to index
          %get3A_552 = arith.constant 0 : index
          %get3A_553 = tpu.vector_load %arg21[%get3A_550, %get3A_551, %get3A_552] {strides = array<i32>} : memref<2x64x128xf32, #tpu.memory_space<vmem>>, vector<16xf32>,
          %max3A_554 = arith.maximumf %while3A_542, %get3A_553 : vector<16xf32>
          %get3A_555 = arith.index_cast %sub3A_309 : i32 to index
          %get3A_556 = arith.index_cast %while3A_541 : i32 to index
          %get3A_557 = arith.constant 16 : index
          %get3A_558 = tpu.vector_load %arg21[%get3A_555, %get3A_556, %get3A_557] {strides = array<i32>} : memref<2x64x128xf32, #tpu.memory_space<vmem>>, vector<16xf32>,
          %max3A_559 = arith.maximumf %while3A_543, %get3A_558 : vector<16xf32>
          %get3A_560 = arith.index_cast %sub3A_309 : i32 to index
          %get3A_561 = arith.index_cast %while3A_541 : i32 to index
          %get3A_562 = arith.constant 32 : index
          %get3A_563 = tpu.vector_load %arg21[%get3A_560, %get3A_561, %get3A_562] {strides = array<i32>} : memref<2x64x128xf32, #tpu.memory_space<vmem>>, vector<16xf32>,
          %max3A_564 = arith.maximumf %while3A_544, %get3A_563 : vector<16xf32>
          %get3A_565 = arith.index_cast %sub3A_309 : i32 to index
          %get3A_566 = arith.index_cast %while3A_541 : i32 to index
          %get3A_567 = arith.constant 48 : index
          %get3A_568 = tpu.vector_load %arg21[%get3A_565, %get3A_566, %get3A_567] {strides = array<i32>} : memref<2x64x128xf32, #tpu.memory_space<vmem>>, vector<16xf32>,
          %max3A_569 = arith.maximumf %while3A_545, %get3A_568 : vector<16xf32>
          %get3A_570 = arith.index_cast %sub3A_309 : i32 to index
          %get3A_571 = arith.index_cast %while3A_541 : i32 to index
          %get3A_572 = arith.constant 64 : index
          %get3A_573 = tpu.vector_load %arg21[%get3A_570, %get3A_571, %get3A_572] {strides = array<i32>} : memref<2x64x128xf32, #tpu.memory_space<vmem>>, vector<16xf32>,
          %max3A_574 = arith.maximumf %while3A_546, %get3A_573 : vector<16xf32>
          %get3A_575 = arith.index_cast %sub3A_309 : i32 to index
          %get3A_576 = arith.index_cast %while3A_541 : i32 to index
          %get3A_577 = arith.constant 80 : index
          %get3A_578 = tpu.vector_load %arg21[%get3A_575, %get3A_576, %get3A_577] {strides = array<i32>} : memref<2x64x128xf32, #tpu.memory_space<vmem>>, vector<16xf32>,
          %max3A_579 = arith.maximumf %while3A_547, %get3A_578 : vector<16xf32>
          %get3A_580 = arith.index_cast %sub3A_309 : i32 to index
          %get3A_581 = arith.index_cast %while3A_541 : i32 to index
          %get3A_582 = arith.constant 96 : index
          %get3A_583 = tpu.vector_load %arg21[%get3A_580, %get3A_581, %get3A_582] {strides = array<i32>} : memref<2x64x128xf32, #tpu.memory_space<vmem>>, vector<16xf32>,
          %max3A_584 = arith.maximumf %while3A_548, %get3A_583 : vector<16xf32>
          %get3A_585 = arith.index_cast %sub3A_309 : i32 to index
          %get3A_586 = arith.index_cast %while3A_541 : i32 to index
          %get3A_587 = arith.constant 112 : index
          %get3A_588 = tpu.vector_load %arg21[%get3A_585, %get3A_586, %get3A_587] {strides = array<i32>} : memref<2x64x128xf32, #tpu.memory_space<vmem>>, vector<16xf32>,
          %max3A_589 = arith.maximumf %while3A_549, %get3A_588 : vector<16xf32>
          scf.yield %max3A_554, %max3A_559, %max3A_564, %max3A_569, %max3A_574, %max3A_579, %max3A_584, %max3A_589 : vector<16xf32>, vector<16xf32>, vector<16xf32>, vector<16xf32>, vector<16xf32>, vector<16xf32>, vector<16xf32>, vector<16xf32>
        }
        %get3A_461 = arith.index_cast %sub3A_449 : i32 to index
        %get3A_462 = arith.constant 0 : index
        %get3A_463 = tpu.vector_load %arg19[%get3A_461, %get3A_462] {strides = array<i32>} : memref<64x128xf32, #tpu.memory_space<vmem>>, vector<16xf32>,
        %sub3A_464 = arith.subf %while3A_460#0, %get3A_463 : vector<16xf32>
        %max3A_465 = arith.constant 0.000000e+00 : f32
        %max3A_466 = vector.broadcast %max3A_465 : f32 to vector<16xf32>
        %max3A_467 = arith.maximumf %sub3A_464, %max3A_466 : vector<16xf32>
        %swap3A_468 = arith.index_cast %sub3A_449 : i32 to index
        %swap3A_469 = arith.constant 0 : index
        %swap3A_470 = tpu.vector_load %arg22[%swap3A_468, %swap3A_469] {strides = array<i32>} : memref<64x128xf32, #tpu.memory_space<vmem>>, vector<16xf32>,
        tpu.vector_store %arg22[%swap3A_468, %swap3A_469], %max3A_467 {strides = array<i32>} : memref<64x128xf32, #tpu.memory_space<vmem>>, vector<16xf32>,
        %get3A_471 = arith.index_cast %sub3A_449 : i32 to index
        %get3A_472 = arith.constant 16 : index
        %get3A_473 = tpu.vector_load %arg19[%get3A_471, %get3A_472] {strides = array<i32>} : memref<64x128xf32, #tpu.memory_space<vmem>>, vector<16xf32>,
        %sub3A_474 = arith.subf %while3A_460#1, %get3A_473 : vector<16xf32>
        %max3A_475 = arith.constant 0.000000e+00 : f32
        %max3A_476 = vector.broadcast %max3A_475 : f32 to vector<16xf32>
        %max3A_477 = arith.maximumf %sub3A_474, %max3A_476 : vector<16xf32>
        %swap3A_478 = arith.index_cast %sub3A_449 : i32 to index
        %swap3A_479 = arith.constant 16 : index
        %swap3A_480 = tpu.vector_load %arg22[%swap3A_478, %swap3A_479] {strides = array<i32>} : memref<64x128xf32, #tpu.memory_space<vmem>>, vector<16xf32>,
        tpu.vector_store %arg22[%swap3A_478, %swap3A_479], %max3A_477 {strides = array<i32>} : memref<64x128xf32, #tpu.memory_space<vmem>>, vector<16xf32>,
        %get3A_481 = arith.index_cast %sub3A_449 : i32 to index
        %get3A_482 = arith.constant 32 : index
        %get3A_483 = tpu.vector_load %arg19[%get3A_481, %get3A_482] {strides = array<i32>} : memref<64x128xf32, #tpu.memory_space<vmem>>, vector<16xf32>,
        %sub3A_484 = arith.subf %while3A_460#2, %get3A_483 : vector<16xf32>
        %max3A_485 = arith.constant 0.000000e+00 : f32
        %max3A_486 = vector.broadcast %max3A_485 : f32 to vector<16xf32>
        %max3A_487 = arith.maximumf %sub3A_484, %max3A_486 : vector<16xf32>
        %swap3A_488 = arith.index_cast %sub3A_449 : i32 to index
        %swap3A_489 = arith.constant 32 : index
        %swap3A_490 = tpu.vector_load %arg22[%swap3A_488, %swap3A_489] {strides = array<i32>} : memref<64x128xf32, #tpu.memory_space<vmem>>, vector<16xf32>,
        tpu.vector_store %arg22[%swap3A_488, %swap3A_489], %max3A_487 {strides = array<i32>} : memref<64x128xf32, #tpu.memory_space<vmem>>, vector<16xf32>,
        %get3A_491 = arith.index_cast %sub3A_449 : i32 to index
        %get3A_492 = arith.constant 48 : index
        %get3A_493 = tpu.vector_load %arg19[%get3A_491, %get3A_492] {strides = array<i32>} : memref<64x128xf32, #tpu.memory_space<vmem>>, vector<16xf32>,
        %sub3A_494 = arith.subf %while3A_460#3, %get3A_493 : vector<16xf32>
        %max3A_495 = arith.constant 0.000000e+00 : f32
        %max3A_496 = vector.broadcast %max3A_495 : f32 to vector<16xf32>
        %max3A_497 = arith.maximumf %sub3A_494, %max3A_496 : vector<16xf32>
        %swap3A_498 = arith.index_cast %sub3A_449 : i32 to index
        %swap3A_499 = arith.constant 48 : index
        %swap3A_500 = tpu.vector_load %arg22[%swap3A_498, %swap3A_499] {strides = array<i32>} : memref<64x128xf32, #tpu.memory_space<vmem>>, vector<16xf32>,
        tpu.vector_store %arg22[%swap3A_498, %swap3A_499], %max3A_497 {strides = array<i32>} : memref<64x128xf32, #tpu.memory_space<vmem>>, vector<16xf32>,
        %get3A_501 = arith.index_cast %sub3A_449 : i32 to index
        %get3A_502 = arith.constant 64 : index
        %get3A_503 = tpu.vector_load %arg19[%get3A_501, %get3A_502] {strides = array<i32>} : memref<64x128xf32, #tpu.memory_space<vmem>>, vector<16xf32>,
        %sub3A_504 = arith.subf %while3A_460#4, %get3A_503 : vector<16xf32>
        %max3A_505 = arith.constant 0.000000e+00 : f32
        %max3A_506 = vector.broadcast %max3A_505 : f32 to vector<16xf32>
        %max3A_507 = arith.maximumf %sub3A_504, %max3A_506 : vector<16xf32>
        %swap3A_508 = arith.index_cast %sub3A_449 : i32 to index
        %swap3A_509 = arith.constant 64 : index
        %swap3A_510 = tpu.vector_load %arg22[%swap3A_508, %swap3A_509] {strides = array<i32>} : memref<64x128xf32, #tpu.memory_space<vmem>>, vector<16xf32>,
        tpu.vector_store %arg22[%swap3A_508, %swap3A_509], %max3A_507 {strides = array<i32>} : memref<64x128xf32, #tpu.memory_space<vmem>>, vector<16xf32>,
        %get3A_511 = arith.index_cast %sub3A_449 : i32 to index
        %get3A_512 = arith.constant 80 : index
        %get3A_513 = tpu.vector_load %arg19[%get3A_511, %get3A_512] {strides = array<i32>} : memref<64x128xf32, #tpu.memory_space<vmem>>, vector<16xf32>,
        %sub3A_514 = arith.subf %while3A_460#5, %get3A_513 : vector<16xf32>
        %max3A_515 = arith.constant 0.000000e+00 : f32
        %max3A_516 = vector.broadcast %max3A_515 : f32 to vector<16xf32>
        %max3A_517 = arith.maximumf %sub3A_514, %max3A_516 : vector<16xf32>
        %swap3A_518 = arith.index_cast %sub3A_449 : i32 to index
        %swap3A_519 = arith.constant 80 : index
        %swap3A_520 = tpu.vector_load %arg22[%swap3A_518, %swap3A_519] {strides = array<i32>} : memref<64x128xf32, #tpu.memory_space<vmem>>, vector<16xf32>,
        tpu.vector_store %arg22[%swap3A_518, %swap3A_519], %max3A_517 {strides = array<i32>} : memref<64x128xf32, #tpu.memory_space<vmem>>, vector<16xf32>,
        %get3A_521 = arith.index_cast %sub3A_449 : i32 to index
        %get3A_522 = arith.constant 96 : index
        %get3A_523 = tpu.vector_load %arg19[%get3A_521, %get3A_522] {strides = array<i32>} : memref<64x128xf32, #tpu.memory_space<vmem>>, vector<16xf32>,
        %sub3A_524 = arith.subf %while3A_460#6, %get3A_523 : vector<16xf32>
        %max3A_525 = arith.constant 0.000000e+00 : f32
        %max3A_526 = vector.broadcast %max3A_525 : f32 to vector<16xf32>
        %max3A_527 = arith.maximumf %sub3A_524, %max3A_526 : vector<16xf32>
        %swap3A_528 = arith.index_cast %sub3A_449 : i32 to index
        %swap3A_529 = arith.constant 96 : index
        %swap3A_530 = tpu.vector_load %arg22[%swap3A_528, %swap3A_529] {strides = array<i32>} : memref<64x128xf32, #tpu.memory_space<vmem>>, vector<16xf32>,
        tpu.vector_store %arg22[%swap3A_528, %swap3A_529], %max3A_527 {strides = array<i32>} : memref<64x128xf32, #tpu.memory_space<vmem>>, vector<16xf32>,
        %get3A_531 = arith.index_cast %sub3A_449 : i32 to index
        %get3A_532 = arith.constant 112 : index
        %get3A_533 = tpu.vector_load %arg19[%get3A_531, %get3A_532] {strides = array<i32>} : memref<64x128xf32, #tpu.memory_space<vmem>>, vector<16xf32>,
        %sub3A_534 = arith.subf %while3A_460#7, %get3A_533 : vector<16xf32>
        %max3A_535 = arith.constant 0.000000e+00 : f32
        %max3A_536 = vector.broadcast %max3A_535 : f32 to vector<16xf32>
        %max3A_537 = arith.maximumf %sub3A_534, %max3A_536 : vector<16xf32>
        %swap3A_538 = arith.index_cast %sub3A_449 : i32 to index
        %swap3A_539 = arith.constant 112 : index
        %swap3A_540 = tpu.vector_load %arg22[%swap3A_538, %swap3A_539] {strides = array<i32>} : memref<64x128xf32, #tpu.memory_space<vmem>>, vector<16xf32>,
        tpu.vector_store %arg22[%swap3A_538, %swap3A_539], %max3A_537 {strides = array<i32>} : memref<64x128xf32, #tpu.memory_space<vmem>>, vector<16xf32>,
        scf.yield %min3A_427 : i32
      }
      %scan3A_169 = arith.constant 63 : i32
      %dma_wait3A = arith.constant 1 : i32
      %dma_wait3A_170 = arith.constant 1 : i32
      %dma_wait3A_171 = arith.constant 0 : i32
      %dma_wait3A_172 = arith.constant 0 : i32
      %dma_wait3A_173 = tpu.memref_slice %arg21[%dma_wait3A_170, %dma_wait3A_171, %dma_wait3A_172] : memref<2x64x128xf32, #tpu.memory_space<vmem>> -> memref<1x64x128xf32, #tpu.memory_space<vmem>>
      %dma_wait3A_174 = tpu.memref_squeeze %dma_wait3A_173 : memref<1x64x128xf32, #tpu.memory_space<vmem>> -> memref<64x128xf32, #tpu.memory_space<vmem>>
      %dma_wait3A_175 = arith.constant 0 : i32
      %dma_wait3A_176 = tpu.memref_slice %arg20[%dma_wait3A, %dma_wait3A_175] : memref<2x128xi32, #tpu.memory_space<vmem>> -> memref<1x64xi32, #tpu.memory_space<vmem>>
      %dma_wait3A_177 = tpu.memref_squeeze %dma_wait3A_176 : memref<1x64xi32, #tpu.memory_space<vmem>> -> memref<64xi32, #tpu.memory_space<vmem>>
      %dma_wait3A_178 = arith.constant 0 : i32
      %dma_wait3A_179 = arith.constant 0 : i32
      %dma_wait3A_180 = tpu.memref_slice %arg10[%dma_wait3A_178, %dma_wait3A_179] : memref<32768x128xf32, #tpu.memory_space<hbm>> -> memref<32768x128xf32, #tpu.memory_space<hbm>>
      tpu.wait_indirect_dma semaphore(%arg24 : memref<!tpu.dma_semaphore, #tpu.memory_space<semaphore_mem>>) src(%dma_wait3A_180 : memref<32768x128xf32, #tpu.memory_space<hbm>>) dst(%dma_wait3A_174 : memref<64x128xf32, #tpu.memory_space<vmem>>)
      %while3A_181 = arith.constant 0 : i32
      %while3A_182 = arith.subi %scan3A_168, %while3A_181 : i32
      %while3A_183 = arith.addi %while3A_181, %while3A_182 : i32
      %while3A_184 = arith.constant 1 : i32
      %while3A_185 = arith.divsi %while3A_182, %while3A_184 : i32
      %while3A_186 = arith.muli %while3A_185, %while3A_184 : i32
      %while3A_187 = arith.addi %while3A_181, %while3A_186 : i32
      %while3A_188 = arith.constant 1 : i32
      %while3A_189:8 = scf.for %while3A_291 = %while3A_181 to %while3A_187 step %while3A_188 iter_args(%while3A_292 = %broadcast_in_dim3A_21, %while3A_293 = %broadcast_in_dim3A_21, %while3A_294 = %broadcast_in_dim3A_21, %while3A_295 = %broadcast_in_dim3A_21, %while3A_296 = %broadcast_in_dim3A_21, %while3A_297 = %broadcast_in_dim3A_21, %while3A_298 = %broadcast_in_dim3A_21, %while3A_299 = %broadcast_in_dim3A_21) -> (vector<16xf32>, vector<16xf32>, vector<16xf32>, vector<16xf32>, vector<16xf32>, vector<16xf32>, vector<16xf32>, vector<16xf32>)  : i32 {
        %get3A_300 = arith.constant 1 : i32
        %get3A_301 = arith.index_cast %get3A_300 : i32 to index
        %get3A_302 = arith.index_cast %while3A_291 : i32 to index
        %get3A_303 = arith.constant 0 : index
        %get3A_304 = tpu.vector_load %arg21[%get3A_301, %get3A_302, %get3A_303] {strides = array<i32>} : memref<2x64x128xf32, #tpu.memory_space<vmem>>, vector<16xf32>,
        %max3A_305 = arith.maximumf %while3A_292, %get3A_304 : vector<16xf32>
        %get3A_306 = arith.constant 1 : i32
        %get3A_307 = arith.index_cast %get3A_306 : i32 to index
        %get3A_308 = arith.index_cast %while3A_291 : i32 to index
        %get3A_309 = arith.constant 16 : index
        %get3A_310 = tpu.vector_load %arg21[%get3A_307, %get3A_308, %get3A_309] {strides = array<i32>} : memref<2x64x128xf32, #tpu.memory_space<vmem>>, vector<16xf32>,
        %max3A_311 = arith.maximumf %while3A_293, %get3A_310 : vector<16xf32>
        %get3A_312 = arith.constant 1 : i32
        %get3A_313 = arith.index_cast %get3A_312 : i32 to index
        %get3A_314 = arith.index_cast %while3A_291 : i32 to index
        %get3A_315 = arith.constant 32 : index
        %get3A_316 = tpu.vector_load %arg21[%get3A_313, %get3A_314, %get3A_315] {strides = array<i32>} : memref<2x64x128xf32, #tpu.memory_space<vmem>>, vector<16xf32>,
        %max3A_317 = arith.maximumf %while3A_294, %get3A_316 : vector<16xf32>
        %get3A_318 = arith.constant 1 : i32
        %get3A_319 = arith.index_cast %get3A_318 : i32 to index
        %get3A_320 = arith.index_cast %while3A_291 : i32 to index
        %get3A_321 = arith.constant 48 : index
        %get3A_322 = tpu.vector_load %arg21[%get3A_319, %get3A_320, %get3A_321] {strides = array<i32>} : memref<2x64x128xf32, #tpu.memory_space<vmem>>, vector<16xf32>,
        %max3A_323 = arith.maximumf %while3A_295, %get3A_322 : vector<16xf32>
        %get3A_324 = arith.constant 1 : i32
        %get3A_325 = arith.index_cast %get3A_324 : i32 to index
        %get3A_326 = arith.index_cast %while3A_291 : i32 to index
        %get3A_327 = arith.constant 64 : index
        %get3A_328 = tpu.vector_load %arg21[%get3A_325, %get3A_326, %get3A_327] {strides = array<i32>} : memref<2x64x128xf32, #tpu.memory_space<vmem>>, vector<16xf32>,
        %max3A_329 = arith.maximumf %while3A_296, %get3A_328 : vector<16xf32>
        %get3A_330 = arith.constant 1 : i32
        %get3A_331 = arith.index_cast %get3A_330 : i32 to index
        %get3A_332 = arith.index_cast %while3A_291 : i32 to index
        %get3A_333 = arith.constant 80 : index
        %get3A_334 = tpu.vector_load %arg21[%get3A_331, %get3A_332, %get3A_333] {strides = array<i32>} : memref<2x64x128xf32, #tpu.memory_space<vmem>>, vector<16xf32>,
        %max3A_335 = arith.maximumf %while3A_297, %get3A_334 : vector<16xf32>
        %get3A_336 = arith.constant 1 : i32
        %get3A_337 = arith.index_cast %get3A_336 : i32 to index
        %get3A_338 = arith.index_cast %while3A_291 : i32 to index
        %get3A_339 = arith.constant 96 : index
        %get3A_340 = tpu.vector_load %arg21[%get3A_337, %get3A_338, %get3A_339] {strides = array<i32>} : memref<2x64x128xf32, #tpu.memory_space<vmem>>, vector<16xf32>,
        %max3A_341 = arith.maximumf %while3A_298, %get3A_340 : vector<16xf32>
        %get3A_342 = arith.constant 1 : i32
        %get3A_343 = arith.index_cast %get3A_342 : i32 to index
        %get3A_344 = arith.index_cast %while3A_291 : i32 to index
        %get3A_345 = arith.constant 112 : index
        %get3A_346 = tpu.vector_load %arg21[%get3A_343, %get3A_344, %get3A_345] {strides = array<i32>} : memref<2x64x128xf32, #tpu.memory_space<vmem>>, vector<16xf32>,
        %max3A_347 = arith.maximumf %while3A_299, %get3A_346 : vector<16xf32>
        scf.yield %max3A_305, %max3A_311, %max3A_317, %max3A_323, %max3A_329, %max3A_335, %max3A_341, %max3A_347 : vector<16xf32>, vector<16xf32>, vector<16xf32>, vector<16xf32>, vector<16xf32>, vector<16xf32>, vector<16xf32>, vector<16xf32>
      }
      %while3A_190 = arith.constant 1 : i32
      %while3A_191:8 = scf.for %while3A_291 = %while3A_187 to %while3A_183 step %while3A_190 iter_args(%while3A_292 = %while3A_189#0, %while3A_293 = %while3A_189#1, %while3A_294 = %while3A_189#2, %while3A_295 = %while3A_189#3, %while3A_296 = %while3A_189#4, %while3A_297 = %while3A_189#5, %while3A_298 = %while3A_189#6, %while3A_299 = %while3A_189#7) -> (vector<16xf32>, vector<16xf32>, vector<16xf32>, vector<16xf32>, vector<16xf32>, vector<16xf32>, vector<16xf32>, vector<16xf32>)  : i32 {
        %get3A_300 = arith.constant 1 : i32
        %get3A_301 = arith.index_cast %get3A_300 : i32 to index
        %get3A_302 = arith.index_cast %while3A_291 : i32 to index
        %get3A_303 = arith.constant 0 : index
        %get3A_304 = tpu.vector_load %arg21[%get3A_301, %get3A_302, %get3A_303] {strides = array<i32>} : memref<2x64x128xf32, #tpu.memory_space<vmem>>, vector<16xf32>,
        %max3A_305 = arith.maximumf %while3A_292, %get3A_304 : vector<16xf32>
        %get3A_306 = arith.constant 1 : i32
        %get3A_307 = arith.index_cast %get3A_306 : i32 to index
        %get3A_308 = arith.index_cast %while3A_291 : i32 to index
        %get3A_309 = arith.constant 16 : index
        %get3A_310 = tpu.vector_load %arg21[%get3A_307, %get3A_308, %get3A_309] {strides = array<i32>} : memref<2x64x128xf32, #tpu.memory_space<vmem>>, vector<16xf32>,
        %max3A_311 = arith.maximumf %while3A_293, %get3A_310 : vector<16xf32>
        %get3A_312 = arith.constant 1 : i32
        %get3A_313 = arith.index_cast %get3A_312 : i32 to index
        %get3A_314 = arith.index_cast %while3A_291 : i32 to index
        %get3A_315 = arith.constant 32 : index
        %get3A_316 = tpu.vector_load %arg21[%get3A_313, %get3A_314, %get3A_315] {strides = array<i32>} : memref<2x64x128xf32, #tpu.memory_space<vmem>>, vector<16xf32>,
        %max3A_317 = arith.maximumf %while3A_294, %get3A_316 : vector<16xf32>
        %get3A_318 = arith.constant 1 : i32
        %get3A_319 = arith.index_cast %get3A_318 : i32 to index
        %get3A_320 = arith.index_cast %while3A_291 : i32 to index
        %get3A_321 = arith.constant 48 : index
        %get3A_322 = tpu.vector_load %arg21[%get3A_319, %get3A_320, %get3A_321] {strides = array<i32>} : memref<2x64x128xf32, #tpu.memory_space<vmem>>, vector<16xf32>,
        %max3A_323 = arith.maximumf %while3A_295, %get3A_322 : vector<16xf32>
        %get3A_324 = arith.constant 1 : i32
        %get3A_325 = arith.index_cast %get3A_324 : i32 to index
        %get3A_326 = arith.index_cast %while3A_291 : i32 to index
        %get3A_327 = arith.constant 64 : index
        %get3A_328 = tpu.vector_load %arg21[%get3A_325, %get3A_326, %get3A_327] {strides = array<i32>} : memref<2x64x128xf32, #tpu.memory_space<vmem>>, vector<16xf32>,
        %max3A_329 = arith.maximumf %while3A_296, %get3A_328 : vector<16xf32>
        %get3A_330 = arith.constant 1 : i32
        %get3A_331 = arith.index_cast %get3A_330 : i32 to index
        %get3A_332 = arith.index_cast %while3A_291 : i32 to index
        %get3A_333 = arith.constant 80 : index
        %get3A_334 = tpu.vector_load %arg21[%get3A_331, %get3A_332, %get3A_333] {strides = array<i32>} : memref<2x64x128xf32, #tpu.memory_space<vmem>>, vector<16xf32>,
        %max3A_335 = arith.maximumf %while3A_297, %get3A_334 : vector<16xf32>
        %get3A_336 = arith.constant 1 : i32
        %get3A_337 = arith.index_cast %get3A_336 : i32 to index
        %get3A_338 = arith.index_cast %while3A_291 : i32 to index
        %get3A_339 = arith.constant 96 : index
        %get3A_340 = tpu.vector_load %arg21[%get3A_337, %get3A_338, %get3A_339] {strides = array<i32>} : memref<2x64x128xf32, #tpu.memory_space<vmem>>, vector<16xf32>,
        %max3A_341 = arith.maximumf %while3A_298, %get3A_340 : vector<16xf32>
        %get3A_342 = arith.constant 1 : i32
        %get3A_343 = arith.index_cast %get3A_342 : i32 to index
        %get3A_344 = arith.index_cast %while3A_291 : i32 to index
        %get3A_345 = arith.constant 112 : index
        %get3A_346 = tpu.vector_load %arg21[%get3A_343, %get3A_344, %get3A_345] {strides = array<i32>} : memref<2x64x128xf32, #tpu.memory_space<vmem>>, vector<16xf32>,
        %max3A_347 = arith.maximumf %while3A_299, %get3A_346 : vector<16xf32>
        scf.yield %max3A_305, %max3A_311, %max3A_317, %max3A_323, %max3A_329, %max3A_335, %max3A_341, %max3A_347 : vector<16xf32>, vector<16xf32>, vector<16xf32>, vector<16xf32>, vector<16xf32>, vector<16xf32>, vector<16xf32>, vector<16xf32>
      }
      %get3A_192 = arith.constant 63 : i32
      %get3A_193 = arith.index_cast %get3A_192 : i32 to index
      %get3A_194 = arith.constant 0 : index
      %get3A_195 = tpu.vector_load %arg19[%get3A_193, %get3A_194] {strides = array<i32>} : memref<64x128xf32, #tpu.memory_space<vmem>>, vector<16xf32>,
      %sub3A_196 = arith.subf %while3A_191#0, %get3A_195 : vector<16xf32>
      %max3A = arith.constant 0.000000e+00 : f32
      %max3A_197 = vector.broadcast %max3A : f32 to vector<16xf32>
      %max3A_198 = arith.maximumf %sub3A_196, %max3A_197 : vector<16xf32>
      %swap3A_199 = arith.constant 63 : i32
      %swap3A_200 = arith.index_cast %swap3A_199 : i32 to index
      %swap3A_201 = arith.constant 0 : index
      %swap3A_202 = tpu.vector_load %arg22[%swap3A_200, %swap3A_201] {strides = array<i32>} : memref<64x128xf32, #tpu.memory_space<vmem>>, vector<16xf32>,
      tpu.vector_store %arg22[%swap3A_200, %swap3A_201], %max3A_198 {strides = array<i32>} : memref<64x128xf32, #tpu.memory_space<vmem>>, vector<16xf32>,
      %get3A_203 = arith.constant 63 : i32
      %get3A_204 = arith.index_cast %get3A_203 : i32 to index
      %get3A_205 = arith.constant 16 : index
      %get3A_206 = tpu.vector_load %arg19[%get3A_204, %get3A_205] {strides = array<i32>} : memref<64x128xf32, #tpu.memory_space<vmem>>, vector<16xf32>,
      %sub3A_207 = arith.subf %while3A_191#1, %get3A_206 : vector<16xf32>
      %max3A_208 = arith.constant 0.000000e+00 : f32
      %max3A_209 = vector.broadcast %max3A_208 : f32 to vector<16xf32>
      %max3A_210 = arith.maximumf %sub3A_207, %max3A_209 : vector<16xf32>
      %swap3A_211 = arith.constant 63 : i32
      %swap3A_212 = arith.index_cast %swap3A_211 : i32 to index
      %swap3A_213 = arith.constant 16 : index
      %swap3A_214 = tpu.vector_load %arg22[%swap3A_212, %swap3A_213] {strides = array<i32>} : memref<64x128xf32, #tpu.memory_space<vmem>>, vector<16xf32>,
      tpu.vector_store %arg22[%swap3A_212, %swap3A_213], %max3A_210 {strides = array<i32>} : memref<64x128xf32, #tpu.memory_space<vmem>>, vector<16xf32>,
      %get3A_215 = arith.constant 63 : i32
      %get3A_216 = arith.index_cast %get3A_215 : i32 to index
      %get3A_217 = arith.constant 32 : index
      %get3A_218 = tpu.vector_load %arg19[%get3A_216, %get3A_217] {strides = array<i32>} : memref<64x128xf32, #tpu.memory_space<vmem>>, vector<16xf32>,
      %sub3A_219 = arith.subf %while3A_191#2, %get3A_218 : vector<16xf32>
      %max3A_220 = arith.constant 0.000000e+00 : f32
      %max3A_221 = vector.broadcast %max3A_220 : f32 to vector<16xf32>
      %max3A_222 = arith.maximumf %sub3A_219, %max3A_221 : vector<16xf32>
      %swap3A_223 = arith.constant 63 : i32
      %swap3A_224 = arith.index_cast %swap3A_223 : i32 to index
      %swap3A_225 = arith.constant 32 : index
      %swap3A_226 = tpu.vector_load %arg22[%swap3A_224, %swap3A_225] {strides = array<i32>} : memref<64x128xf32, #tpu.memory_space<vmem>>, vector<16xf32>,
      tpu.vector_store %arg22[%swap3A_224, %swap3A_225], %max3A_222 {strides = array<i32>} : memref<64x128xf32, #tpu.memory_space<vmem>>, vector<16xf32>,
      %get3A_227 = arith.constant 63 : i32
      %get3A_228 = arith.index_cast %get3A_227 : i32 to index
      %get3A_229 = arith.constant 48 : index
      %get3A_230 = tpu.vector_load %arg19[%get3A_228, %get3A_229] {strides = array<i32>} : memref<64x128xf32, #tpu.memory_space<vmem>>, vector<16xf32>,
      %sub3A_231 = arith.subf %while3A_191#3, %get3A_230 : vector<16xf32>
      %max3A_232 = arith.constant 0.000000e+00 : f32
      %max3A_233 = vector.broadcast %max3A_232 : f32 to vector<16xf32>
      %max3A_234 = arith.maximumf %sub3A_231, %max3A_233 : vector<16xf32>
      %swap3A_235 = arith.constant 63 : i32
      %swap3A_236 = arith.index_cast %swap3A_235 : i32 to index
      %swap3A_237 = arith.constant 48 : index
      %swap3A_238 = tpu.vector_load %arg22[%swap3A_236, %swap3A_237] {strides = array<i32>} : memref<64x128xf32, #tpu.memory_space<vmem>>, vector<16xf32>,
      tpu.vector_store %arg22[%swap3A_236, %swap3A_237], %max3A_234 {strides = array<i32>} : memref<64x128xf32, #tpu.memory_space<vmem>>, vector<16xf32>,
      %get3A_239 = arith.constant 63 : i32
      %get3A_240 = arith.index_cast %get3A_239 : i32 to index
      %get3A_241 = arith.constant 64 : index
      %get3A_242 = tpu.vector_load %arg19[%get3A_240, %get3A_241] {strides = array<i32>} : memref<64x128xf32, #tpu.memory_space<vmem>>, vector<16xf32>,
      %sub3A_243 = arith.subf %while3A_191#4, %get3A_242 : vector<16xf32>
      %max3A_244 = arith.constant 0.000000e+00 : f32
      %max3A_245 = vector.broadcast %max3A_244 : f32 to vector<16xf32>
      %max3A_246 = arith.maximumf %sub3A_243, %max3A_245 : vector<16xf32>
      %swap3A_247 = arith.constant 63 : i32
      %swap3A_248 = arith.index_cast %swap3A_247 : i32 to index
      %swap3A_249 = arith.constant 64 : index
      %swap3A_250 = tpu.vector_load %arg22[%swap3A_248, %swap3A_249] {strides = array<i32>} : memref<64x128xf32, #tpu.memory_space<vmem>>, vector<16xf32>,
      tpu.vector_store %arg22[%swap3A_248, %swap3A_249], %max3A_246 {strides = array<i32>} : memref<64x128xf32, #tpu.memory_space<vmem>>, vector<16xf32>,
      %get3A_251 = arith.constant 63 : i32
      %get3A_252 = arith.index_cast %get3A_251 : i32 to index
      %get3A_253 = arith.constant 80 : index
      %get3A_254 = tpu.vector_load %arg19[%get3A_252, %get3A_253] {strides = array<i32>} : memref<64x128xf32, #tpu.memory_space<vmem>>, vector<16xf32>,
      %sub3A_255 = arith.subf %while3A_191#5, %get3A_254 : vector<16xf32>
      %max3A_256 = arith.constant 0.000000e+00 : f32
      %max3A_257 = vector.broadcast %max3A_256 : f32 to vector<16xf32>
      %max3A_258 = arith.maximumf %sub3A_255, %max3A_257 : vector<16xf32>
      %swap3A_259 = arith.constant 63 : i32
      %swap3A_260 = arith.index_cast %swap3A_259 : i32 to index
      %swap3A_261 = arith.constant 80 : index
      %swap3A_262 = tpu.vector_load %arg22[%swap3A_260, %swap3A_261] {strides = array<i32>} : memref<64x128xf32, #tpu.memory_space<vmem>>, vector<16xf32>,
      tpu.vector_store %arg22[%swap3A_260, %swap3A_261], %max3A_258 {strides = array<i32>} : memref<64x128xf32, #tpu.memory_space<vmem>>, vector<16xf32>,
      %get3A_263 = arith.constant 63 : i32
      %get3A_264 = arith.index_cast %get3A_263 : i32 to index
      %get3A_265 = arith.constant 96 : index
      %get3A_266 = tpu.vector_load %arg19[%get3A_264, %get3A_265] {strides = array<i32>} : memref<64x128xf32, #tpu.memory_space<vmem>>, vector<16xf32>,
      %sub3A_267 = arith.subf %while3A_191#6, %get3A_266 : vector<16xf32>
      %max3A_268 = arith.constant 0.000000e+00 : f32
      %max3A_269 = vector.broadcast %max3A_268 : f32 to vector<16xf32>
      %max3A_270 = arith.maximumf %sub3A_267, %max3A_269 : vector<16xf32>
      %swap3A_271 = arith.constant 63 : i32
      %swap3A_272 = arith.index_cast %swap3A_271 : i32 to index
      %swap3A_273 = arith.constant 96 : index
      %swap3A_274 = tpu.vector_load %arg22[%swap3A_272, %swap3A_273] {strides = array<i32>} : memref<64x128xf32, #tpu.memory_space<vmem>>, vector<16xf32>,
      tpu.vector_store %arg22[%swap3A_272, %swap3A_273], %max3A_270 {strides = array<i32>} : memref<64x128xf32, #tpu.memory_space<vmem>>, vector<16xf32>,
      %get3A_275 = arith.constant 63 : i32
      %get3A_276 = arith.index_cast %get3A_275 : i32 to index
      %get3A_277 = arith.constant 112 : index
      %get3A_278 = tpu.vector_load %arg19[%get3A_276, %get3A_277] {strides = array<i32>} : memref<64x128xf32, #tpu.memory_space<vmem>>, vector<16xf32>,
      %sub3A_279 = arith.subf %while3A_191#7, %get3A_278 : vector<16xf32>
      %max3A_280 = arith.constant 0.000000e+00 : f32
      %max3A_281 = vector.broadcast %max3A_280 : f32 to vector<16xf32>
      %max3A_282 = arith.maximumf %sub3A_279, %max3A_281 : vector<16xf32>
      %swap3A_283 = arith.constant 63 : i32
      %swap3A_284 = arith.index_cast %swap3A_283 : i32 to index
      %swap3A_285 = arith.constant 112 : index
      %swap3A_286 = tpu.vector_load %arg22[%swap3A_284, %swap3A_285] {strides = array<i32>} : memref<64x128xf32, #tpu.memory_space<vmem>>, vector<16xf32>,
      tpu.vector_store %arg22[%swap3A_284, %swap3A_285], %max3A_282 {strides = array<i32>} : memref<64x128xf32, #tpu.memory_space<vmem>>, vector<16xf32>,
      %mul3A_287 = arith.constant 64 : i32
      %mul3A_288 = arith.muli %scan3A_29, %mul3A_287 : i32
      %add3A_289 = arith.addi %mul3A_18, %mul3A_288 : i32
      "tpu.region"() ({
        %run_scoped3A = tpu.sem_alloc : memref<!tpu.dma_semaphore, #tpu.memory_space<semaphore_mem>>
        %dma_start3A_291 = arith.constant 0 : i32
        %dma_start3A_292 = tpu.memref_slice %arg11[%add3A_289, %dma_start3A_291] : memref<16384x128xf32, #tpu.memory_space<hbm>> -> memref<64x128xf32, #tpu.memory_space<hbm>>
        %dma_start3A_293 = arith.constant 0 : i32
        %dma_start3A_294 = tpu.memref_slice %arg11[%add3A_289, %dma_start3A_293] : memref<16384x128xf32, #tpu.memory_space<hbm>> -> memref<64x128xf32, #tpu.memory_space<hbm>>
        tpu.enqueue_dma source(%arg22 : memref<64x128xf32, #tpu.memory_space<vmem>>) target(%dma_start3A_294 : memref<64x128xf32, #tpu.memory_space<hbm>>) target_semaphore(%run_scoped3A : memref<!tpu.dma_semaphore, #tpu.memory_space<semaphore_mem>>)
        %dma_wait3A_295 = arith.constant 0 : i32
        %dma_wait3A_296 = tpu.memref_slice %arg11[%add3A_289, %dma_wait3A_295] : memref<16384x128xf32, #tpu.memory_space<hbm>> -> memref<64x128xf32, #tpu.memory_space<hbm>>
        %dma_wait3A_297 = arith.constant 0 : i32
        %dma_wait3A_298 = tpu.memref_slice %arg11[%add3A_289, %dma_wait3A_297] : memref<16384x128xf32, #tpu.memory_space<hbm>> -> memref<64x128xf32, #tpu.memory_space<hbm>>
        tpu.wait_dma2 semaphore(%run_scoped3A : memref<!tpu.dma_semaphore, #tpu.memory_space<semaphore_mem>>) src(%arg22 : memref<64x128xf32, #tpu.memory_space<vmem>>) dst(%dma_wait3A_298 : memref<64x128xf32, #tpu.memory_space<hbm>>)
        tpu.yield
      }) : () -> ()
      %scan3A_290 = arith.constant 0 : i32
      scf.yield %scan3A_290 : i32
    }
    %scan3A_28 = arith.constant 8 : i32
    return
  }
}

module attributes {stable_mosaic.version = 14 : i64} {
  func.func @_fps_body(%arg0: memref<8x32x128xf32, #tpu.memory_space<vmem>>, %arg1: memref<8x32x128xf32, #tpu.memory_space<vmem>>, %arg2: memref<8x32x128xf32, #tpu.memory_space<vmem>>, %arg3: memref<8x16x128xi32, #tpu.memory_space<vmem>>, %arg4: memref<8x16x128xf32, #tpu.memory_space<vmem>>, %arg5: memref<8x16x128xf32, #tpu.memory_space<vmem>>, %arg6: memref<8x16x128xf32, #tpu.memory_space<vmem>>) attributes {dimension_semantics = [], scalar_prefetch = 0 : i64, scratch_operands = 0 : i64, tpu.core_type = #tpu.core_type<tc>} {
    %get3A = arith.constant 0 : index
    %get3A_0 = arith.constant 0 : index
    %get3A_1 = arith.constant 0 : index
    %get3A_2 = vector.load %arg0[%get3A, %get3A_0, %get3A_1] : memref<8x32x128xf32, #tpu.memory_space<vmem>>, vector<8x32x128xf32>
    %get3A_3 = arith.constant 0 : index
    %get3A_4 = arith.constant 0 : index
    %get3A_5 = arith.constant 0 : index
    %get3A_6 = vector.load %arg1[%get3A_3, %get3A_4, %get3A_5] : memref<8x32x128xf32, #tpu.memory_space<vmem>>, vector<8x32x128xf32>
    %get3A_7 = arith.constant 0 : index
    %get3A_8 = arith.constant 0 : index
    %get3A_9 = arith.constant 0 : index
    %get3A_10 = vector.load %arg2[%get3A_7, %get3A_8, %get3A_9] : memref<8x32x128xf32, #tpu.memory_space<vmem>>, vector<8x32x128xf32>
    %iota3A = tpu.iota {dimensions = array<i32: 1>} : vector<8x32x128xi32>
    %iota3A_11 = tpu.iota {dimensions = array<i32: 2>} : vector<8x32x128xi32>
    %mul3A = arith.constant 128 : i32
    %mul3A_12 = vector.broadcast %mul3A : i32 to vector<8x32x128xi32>
    %mul3A_13 = arith.muli %iota3A, %mul3A_12 : vector<8x32x128xi32>
    %add3A = arith.addi %mul3A_13, %iota3A_11 : vector<8x32x128xi32>
    %iota3A_14 = tpu.iota {dimensions = array<i32: 1>} : vector<8x16x128xi32>
    %iota3A_15 = tpu.iota {dimensions = array<i32: 2>} : vector<8x16x128xi32>
    %mul3A_16 = arith.constant 128 : i32
    %mul3A_17 = vector.broadcast %mul3A_16 : i32 to vector<8x16x128xi32>
    %mul3A_18 = arith.muli %iota3A_14, %mul3A_17 : vector<8x16x128xi32>
    %add3A_19 = arith.addi %mul3A_18, %iota3A_15 : vector<8x16x128xi32>
    %broadcast_in_dim3A = arith.constant 0x7F800000 : f32
    %broadcast_in_dim3A_20 = vector.broadcast %broadcast_in_dim3A : f32 to vector<8x32x128xf32>
    %broadcast_in_dim3A_21 = arith.constant 0 : i32
    %broadcast_in_dim3A_22 = vector.broadcast %broadcast_in_dim3A_21 : i32 to vector<8x1x1xi32>
    %broadcast_in_dim3A_23 = arith.constant 0 : i32
    %broadcast_in_dim3A_24 = vector.broadcast %broadcast_in_dim3A_23 : i32 to vector<8x16x128xi32>
    %broadcast_in_dim3A_25 = arith.constant 0.000000e+00 : f32
    %broadcast_in_dim3A_26 = vector.broadcast %broadcast_in_dim3A_25 : f32 to vector<8x16x128xf32>
    %scan3A = arith.constant 1 : i32
    %scan3A_27 = arith.constant 2048 : i32
    %scan3A_28 = arith.addi %scan3A, %scan3A_27 : i32
    %scan3A_29 = arith.constant 1 : i32
    %scan3A_30:6 = scf.for %scan3A_47 = %scan3A to %scan3A_28 step %scan3A_29 iter_args(%scan3A_48 = %broadcast_in_dim3A_22, %scan3A_49 = %broadcast_in_dim3A_20, %scan3A_50 = %broadcast_in_dim3A_24, %scan3A_51 = %broadcast_in_dim3A_26, %scan3A_52 = %broadcast_in_dim3A_26, %scan3A_53 = %broadcast_in_dim3A_26) -> (vector<8x1x1xi32>, vector<8x32x128xf32>, vector<8x16x128xi32>, vector<8x16x128xf32>, vector<8x16x128xf32>, vector<8x16x128xf32>)  : i32 {
      %eq3A = vector.broadcast %scan3A_48 : vector<8x1x1xi32> to vector<8x32x128xi32>
      %eq3A_54 = arith.cmpi eq, %add3A, %eq3A : vector<8x32x128xi32>
      %jit3A = arith.constant 0.000000e+00 : f32
      %broadcast_in_dim3A_55 = vector.broadcast %jit3A : f32 to vector<8x32x128xf32>
      %select_n3A = arith.select %eq3A_54, %get3A_2, %broadcast_in_dim3A_55 : vector<8x32x128xi1>, vector<8x32x128xf32>
      %reduce_sum3A = arith.constant dense<0.000000e+00> : vector<8xf32>
      %reduce_sum3A_56 = vector.multi_reduction <add>, %select_n3A, %reduce_sum3A [1, 2] : vector<8x32x128xf32> to vector<8xf32>
      %broadcast_in_dim3A_57 = vector.shape_cast %reduce_sum3A_56 : vector<8xf32> to vector<8x1x1xf32>
      %jit3A_58 = arith.constant 0.000000e+00 : f32
      %broadcast_in_dim3A_59 = vector.broadcast %jit3A_58 : f32 to vector<8x32x128xf32>
      %select_n3A_60 = arith.select %eq3A_54, %get3A_6, %broadcast_in_dim3A_59 : vector<8x32x128xi1>, vector<8x32x128xf32>
      %reduce_sum3A_61 = arith.constant dense<0.000000e+00> : vector<8xf32>
      %reduce_sum3A_62 = vector.multi_reduction <add>, %select_n3A_60, %reduce_sum3A_61 [1, 2] : vector<8x32x128xf32> to vector<8xf32>
      %broadcast_in_dim3A_63 = vector.shape_cast %reduce_sum3A_62 : vector<8xf32> to vector<8x1x1xf32>
      %jit3A_64 = arith.constant 0.000000e+00 : f32
      %broadcast_in_dim3A_65 = vector.broadcast %jit3A_64 : f32 to vector<8x32x128xf32>
      %select_n3A_66 = arith.select %eq3A_54, %get3A_10, %broadcast_in_dim3A_65 : vector<8x32x128xi1>, vector<8x32x128xf32>
      %reduce_sum3A_67 = arith.constant dense<0.000000e+00> : vector<8xf32>
      %reduce_sum3A_68 = vector.multi_reduction <add>, %select_n3A_66, %reduce_sum3A_67 [1, 2] : vector<8x32x128xf32> to vector<8xf32>
      %broadcast_in_dim3A_69 = vector.shape_cast %reduce_sum3A_68 : vector<8xf32> to vector<8x1x1xf32>
      %sub3A = arith.constant 1 : i32
      %sub3A_70 = arith.subi %scan3A_47, %sub3A : i32
      %eq3A_71 = vector.broadcast %sub3A_70 : i32 to vector<8x16x128xi32>
      %eq3A_72 = arith.cmpi eq, %add3A_19, %eq3A_71 : vector<8x16x128xi32>
      %broadcast_in_dim3A_73 = vector.shape_cast %broadcast_in_dim3A_57 : vector<8x1x1xf32> to vector<8x1x1xf32>
      %broadcast_in_dim3A_74 = vector.broadcast %broadcast_in_dim3A_73 : vector<8x1x1xf32> to vector<8x16x128xf32>
      %select_n3A_75 = arith.select %eq3A_72, %broadcast_in_dim3A_74, %scan3A_51 : vector<8x16x128xi1>, vector<8x16x128xf32>
      %broadcast_in_dim3A_76 = vector.shape_cast %broadcast_in_dim3A_63 : vector<8x1x1xf32> to vector<8x1x1xf32>
      %broadcast_in_dim3A_77 = vector.broadcast %broadcast_in_dim3A_76 : vector<8x1x1xf32> to vector<8x16x128xf32>
      %select_n3A_78 = arith.select %eq3A_72, %broadcast_in_dim3A_77, %scan3A_52 : vector<8x16x128xi1>, vector<8x16x128xf32>
      %broadcast_in_dim3A_79 = vector.shape_cast %broadcast_in_dim3A_69 : vector<8x1x1xf32> to vector<8x1x1xf32>
      %broadcast_in_dim3A_80 = vector.broadcast %broadcast_in_dim3A_79 : vector<8x1x1xf32> to vector<8x16x128xf32>
      %select_n3A_81 = arith.select %eq3A_72, %broadcast_in_dim3A_80, %scan3A_53 : vector<8x16x128xi1>, vector<8x16x128xf32>
      %sub3A_82 = vector.broadcast %broadcast_in_dim3A_57 : vector<8x1x1xf32> to vector<8x32x128xf32>
      %sub3A_83 = arith.subf %get3A_2, %sub3A_82 : vector<8x32x128xf32>
      %sub3A_84 = vector.broadcast %broadcast_in_dim3A_63 : vector<8x1x1xf32> to vector<8x32x128xf32>
      %sub3A_85 = arith.subf %get3A_6, %sub3A_84 : vector<8x32x128xf32>
      %sub3A_86 = vector.broadcast %broadcast_in_dim3A_69 : vector<8x1x1xf32> to vector<8x32x128xf32>
      %sub3A_87 = arith.subf %get3A_10, %sub3A_86 : vector<8x32x128xf32>
      %mul3A_88 = arith.mulf %sub3A_83, %sub3A_83 : vector<8x32x128xf32>
      %mul3A_89 = arith.mulf %sub3A_85, %sub3A_85 : vector<8x32x128xf32>
      %add3A_90 = arith.addf %mul3A_88, %mul3A_89 : vector<8x32x128xf32>
      %mul3A_91 = arith.mulf %sub3A_87, %sub3A_87 : vector<8x32x128xf32>
      %add3A_92 = arith.addf %add3A_90, %mul3A_91 : vector<8x32x128xf32>
      %min3A = arith.minimumf %scan3A_49, %add3A_92 : vector<8x32x128xf32>
      %reduce_max3A = arith.constant dense<0xFF800000> : vector<8xf32>
      %reduce_max3A_93 = vector.multi_reduction <maximumf>, %min3A, %reduce_max3A [1, 2] : vector<8x32x128xf32> to vector<8xf32>
      %broadcast_in_dim3A_94 = vector.shape_cast %reduce_max3A_93 : vector<8xf32> to vector<8x1x1xf32>
      %eq3A_95 = vector.broadcast %broadcast_in_dim3A_94 : vector<8x1x1xf32> to vector<8x32x128xf32>
      %eq3A_96 = arith.cmpf oeq, %min3A, %eq3A_95 : vector<8x32x128xf32>
      %jit3A_97 = arith.constant 4096 : i32
      %broadcast_in_dim3A_98 = vector.broadcast %jit3A_97 : i32 to vector<8x32x128xi32>
      %select_n3A_99 = arith.select %eq3A_96, %add3A, %broadcast_in_dim3A_98 : vector<8x32x128xi1>, vector<8x32x128xi32>
      %reduce_min3A = arith.constant dense<2147483647> : vector<8xi32>
      %reduce_min3A_100 = vector.multi_reduction <minsi>, %select_n3A_99, %reduce_min3A [1, 2] : vector<8x32x128xi32> to vector<8xi32>
      %broadcast_in_dim3A_101 = vector.shape_cast %reduce_min3A_100 : vector<8xi32> to vector<8x1x1xi32>
      %eq3A_102 = vector.broadcast %scan3A_47 : i32 to vector<8x16x128xi32>
      %eq3A_103 = arith.cmpi eq, %add3A_19, %eq3A_102 : vector<8x16x128xi32>
      %broadcast_in_dim3A_104 = vector.shape_cast %broadcast_in_dim3A_101 : vector<8x1x1xi32> to vector<8x1x1xi32>
      %broadcast_in_dim3A_105 = vector.broadcast %broadcast_in_dim3A_104 : vector<8x1x1xi32> to vector<8x16x128xi32>
      %select_n3A_106 = arith.select %eq3A_103, %broadcast_in_dim3A_105, %scan3A_50 : vector<8x16x128xi1>, vector<8x16x128xi32>
      scf.yield %broadcast_in_dim3A_101, %min3A, %select_n3A_106, %select_n3A_75, %select_n3A_78, %select_n3A_81 : vector<8x1x1xi32>, vector<8x32x128xf32>, vector<8x16x128xi32>, vector<8x16x128xf32>, vector<8x16x128xf32>, vector<8x16x128xf32>
    }
    %scan3A_31 = arith.constant 2048 : i32
    %swap3A = arith.constant 0 : index
    %swap3A_32 = arith.constant 0 : index
    %swap3A_33 = arith.constant 0 : index
    %swap3A_34 = vector.load %arg3[%swap3A, %swap3A_32, %swap3A_33] : memref<8x16x128xi32, #tpu.memory_space<vmem>>, vector<8x16x128xi32>
    tpu.vector_store %arg3[%swap3A, %swap3A_32, %swap3A_33], %scan3A_30#2 {strides = array<i32>} : memref<8x16x128xi32, #tpu.memory_space<vmem>>, vector<8x16x128xi32>,
    %swap3A_35 = arith.constant 0 : index
    %swap3A_36 = arith.constant 0 : index
    %swap3A_37 = arith.constant 0 : index
    %swap3A_38 = vector.load %arg4[%swap3A_35, %swap3A_36, %swap3A_37] : memref<8x16x128xf32, #tpu.memory_space<vmem>>, vector<8x16x128xf32>
    tpu.vector_store %arg4[%swap3A_35, %swap3A_36, %swap3A_37], %scan3A_30#3 {strides = array<i32>} : memref<8x16x128xf32, #tpu.memory_space<vmem>>, vector<8x16x128xf32>,
    %swap3A_39 = arith.constant 0 : index
    %swap3A_40 = arith.constant 0 : index
    %swap3A_41 = arith.constant 0 : index
    %swap3A_42 = vector.load %arg5[%swap3A_39, %swap3A_40, %swap3A_41] : memref<8x16x128xf32, #tpu.memory_space<vmem>>, vector<8x16x128xf32>
    tpu.vector_store %arg5[%swap3A_39, %swap3A_40, %swap3A_41], %scan3A_30#4 {strides = array<i32>} : memref<8x16x128xf32, #tpu.memory_space<vmem>>, vector<8x16x128xf32>,
    %swap3A_43 = arith.constant 0 : index
    %swap3A_44 = arith.constant 0 : index
    %swap3A_45 = arith.constant 0 : index
    %swap3A_46 = vector.load %arg6[%swap3A_43, %swap3A_44, %swap3A_45] : memref<8x16x128xf32, #tpu.memory_space<vmem>>, vector<8x16x128xf32>
    tpu.vector_store %arg6[%swap3A_43, %swap3A_44, %swap3A_45], %scan3A_30#5 {strides = array<i32>} : memref<8x16x128xf32, #tpu.memory_space<vmem>>, vector<8x16x128xf32>,
    return
  }
}

module attributes {stable_mosaic.version = 14 : i64} {
  func.func @_mm_body(%arg0: i32, %arg1: memref<1024x128xf32, #tpu.memory_space<vmem>>, %arg2: memref<128x128xf32, #tpu.memory_space<vmem>>, %arg3: memref<1024x128xf32, #tpu.memory_space<vmem>>) attributes {dimension_semantics = [#tpu.dimension_semantics<arbitrary>], iteration_bounds = array<i64: 48>, scalar_prefetch = 0 : i64, scratch_operands = 0 : i64, tpu.core_type = #tpu.core_type<tc>, window_params = [{transform_indices = @transform_0, window_bounds = array<i64: 1024, 128>}, {pipeline_mode = #tpu.pipeline_mode<synchronous>, transform_indices = @transform_1, window_bounds = array<i64: 128, 128>}, {transform_indices = @transform_2, window_bounds = array<i64: 1024, 128>}]} {
    %get3A = arith.constant 0 : index
    %get3A_0 = arith.constant 0 : index
    %get3A_1 = vector.load %arg1[%get3A, %get3A_0] : memref<1024x128xf32, #tpu.memory_space<vmem>>, vector<1024x128xf32>
    %get3A_2 = arith.constant 0 : index
    %get3A_3 = arith.constant 0 : index
    %get3A_4 = vector.load %arg2[%get3A_2, %get3A_3] : memref<128x128xf32, #tpu.memory_space<vmem>>, vector<128x128xf32>
    %dot_general3A = arith.constant dense<0.000000e+00> : vector<1024x128xf32>
    %dot_general3A_5 = tpu.matmul %get3A_1, %get3A_4, %dot_general3A {dimension_numbers = #tpu.dot_dimension_numbers<[1], [0], [0], [1], [0, 0, 1, 1], [], []>, precision = #tpu.contract_precision<fp32>, transpose_lhs_hint = false} : vector<1024x128xf32>, vector<128x128xf32>, vector<1024x128xf32> -> vector<1024x128xf32>
    %swap3A = arith.constant 0 : index
    %swap3A_6 = arith.constant 0 : index
    %swap3A_7 = vector.load %arg3[%swap3A, %swap3A_6] : memref<1024x128xf32, #tpu.memory_space<vmem>>, vector<1024x128xf32>
    tpu.vector_store %arg3[%swap3A, %swap3A_6], %dot_general3A_5 {strides = array<i32>} : memref<1024x128xf32, #tpu.memory_space<vmem>>, vector<1024x128xf32>,
    return
  }
  func.func @transform_0(%arg0: i32) -> (i32, i32) {
    %c0_i32 = arith.constant 0 : i32
    %c0_i32_0 = arith.constant 0 : i32
    return %arg0, %c0_i32 : i32, i32
  }
  func.func @transform_1(%arg0: i32) -> (i32, i32) {
    %c0_i32 = arith.constant 0 : i32
    %c0_i32_0 = arith.constant 0 : i32
    %c0_i32_1 = arith.constant 0 : i32
    return %c0_i32, %c0_i32_0 : i32, i32
  }
  func.func @transform_2(%arg0: i32) -> (i32, i32) {
    %c0_i32 = arith.constant 0 : i32
    %c0_i32_0 = arith.constant 0 : i32
    return %arg0, %c0_i32 : i32, i32
  }
}

</mosaic_0001>

<sc_bundles>
// kernel: kernel.5.cloned.1.call-start
scs
__scs_entry_jumppad:
0x0: {  	(pc) =	sbr.rel $0x88, $3  }
0x1: {  	(tag) =	ssettag $0x0;
	lr =	simm.s32 $0x1  }
0x2: {  	[smem:$0x3F9D] =	sst lr;
	_ =	strace $0xD0000000  }
0x3: {  	_ = 	snop  }
0x4: {  	_ = 	snop  }
0x5: {  	_ = 	snop  }
0x6: {  	_ = 	snop  }
0x7: {  	_ = 	snop  }
__scs_overlays_trampoline_lowered:
0x8: {  	[smem:$0x3FAC] =	sst s0  }
0x9: {  	[smem:$0x3FAD] =	sst s1  }
0xa: {  	[smem:$0x3FAE] =	sst s2  }
0xb: {  	[smem:$0x3FAF] =	sst s3  }
0xc: {  	[smem:$0x3FB0] =	sst s4  }
0xd: {  	[smem:$0x3FB1] =	sst s5  }
0xe: {  	[smem:$0x3FB2] =	sst s6  }
0xf: {  	[smem:$0x3FB3] =	sst s7  }
0x10: {  	[smem:$0x3FB4] =	sst s8  }
0x11: {  	[smem:$0x3FB5] =	sst s9;
	s0 =	simm.s32 @!p0 $0x0  }
0x12: {  	s1 =	sld [smem:$0x3F9B];
	s0 =	simm.s32 @p0 $0x1  }
0x13: {  	[smem:$0x3FB6] =	sst s0;
	s0 =	simm.s32 @!p1 $0x0  }
0x14: {  	s2 =	sld [smem:$0x3F9A];
	s0 =	simm.s32 @p1 $0x1  }
0x15: {  	[smem:$0x3FB7] =	sst s0;
	s0 =	simm.s32 @!p2 $0x0  }
0x16: {  	s3 =	sld [smem:$0x3FDB];
	s0 =	simm.s32 @p2 $0x1  }
0x17: {  	s4 =	simm.s32 $0x1BF5;
	[smem:$0x3FB9] =	sst s0  }
0x18: {  	s0 =	sld [smem:$0x3F9C];
	_ =	swait.ge [sflag:s4], $0x0  }
0x19: {  	s7 =	sld [smem:$0x3F9D]  }
0x1a: {  	s8 =	sadd.s32 $0xFFFFE003, lr  }
0x1b: {  	s9 =	sadd.s32 $0xFFFFFEF7, lr;
	s5 =	simm.s32 $0xFFFFFFFF;
	p2 =	slt.u32 s8, $0xFFFFF086  }
0x1c: {  	p1 =	slt.u32 s9, $0xF7A;
	s5 =	simm.s32 @!p2 $0x0  }
0x1d: {  	s5 =	simm.s32 @p1 $0x1;
	p0 =	seq.s32 s7, s2  }
0x1e: {  	s7 =	smul.u32 @!p0 $0xF7A, s2;
	p2 =	seq.s32 @!p0 s5, $0x0  }
0x1f: {  	s9 =	smul.u32 $0xF7A, s1;
	s8 =	simm.s32 @!p0 $0x1BF5;
	p2 =	por !p2, p0  }
0x20: {  	[sflag:s8] =	ssyncset.s32 @!p0 $0xFFFFF086;
	s6 =	sadd.s32 @!p0 s3, s7;
	s7 =	simm.s32 @!p0 $0x108  }
0x21: {  	s3 =	sadd.s32 s3, s9;
	s6 =	sadd.s32 @!p0 $0x88, s6;
	s7 =	simm.s32 @p2 $0x1082  }
0x22: {  	[simem:s7], [sflag:s8] =	dma.local @!p0 [hbm:s6], $0xF7A  }
0x23: {  	s9 =	sor.u32 $0xD0000000, s2;
	s6 =	simm.s32 $0x108;
	_ =	swait.ge @!p0 [sflag:s8], $0x0  }
0x24: {  	s3 =	sadd.s32 $0x88, s3;
	s6 =	simm.s32 @!p1 $0x1082;
	[sflag:s4] =	ssyncset.s32 $0xFFFFF086  }
0x25: {  	[simem:s6], [sflag:s4] =	dma.local [hbm:s3], $0xF7A  }
0x26: {  	[smem:$0x3F9D] =	sst s1;
	(tag) =	ssettag s2;
	_ =	strace s9  }
0x27: {  	s1 =	sld [smem:$0x3FAD]  }
0x28: {  	s2 =	sld [smem:$0x3FAE]  }
0x29: {  	s4 =	sld [smem:$0x3FB0]  }
0x2a: {  	p0 =	seq.s32 s5, $0x0;
	s5 =	sld [smem:$0x3FB1]  }
0x2b: {  	s6 =	sld [smem:$0x3FB2]  }
0x2c: {  	s7 =	sld [smem:$0x3FB3]  }
0x2d: {  	s3 =	simm.s32 $0x108;
	s8 =	sld [smem:$0x3FB4]  }
0x2e: {  	s3 =	simm.s32 @!p0 $0x1082;
	s9 =	sld [smem:$0x3FB5]  }
0x2f: {  	lr =	sadd.s32 s0, s3;
	s0 =	sld [smem:$0x3FAC]  }
0x30: {  	s3 =	sld [smem:$0x3FAF]  }
0x31: {  	[smem:$0x3FB8] =	sst s10  }
0x32: {  	s10 =	sld [smem:$0x3FB6];
	_ =	sdelay $0x3  }
0x33: {  	p0 =	seq.s32 s10, $0x1;
	s10 =	sld [smem:$0x3FB8];
	_ =	sdelay $0x3  }
0x34: {  	[smem:$0x3FB8] =	sst s10  }
0x35: {  	s10 =	sld [smem:$0x3FB7];
	_ =	sdelay $0x3  }
0x36: {  	p1 =	seq.s32 s10, $0x1;
	s10 =	sld [smem:$0x3FB8];
	_ =	sdelay $0x3  }
0x37: {  	[smem:$0x3FB8] =	sst s10  }
0x38: {  	s10 =	sld [smem:$0x3FB9]  }
0x39: {  	_ = 	snop;
	(pc) =	sbr.ind lr, $3  }
0x3a: {  	_ = 	snop  }
0x3b: {  	_ = 	snop  }
0x3c: {  	p2 =	seq.s32 s10, $0x1;
	s10 =	sld [smem:$0x3FB8]  }
0x3d: {  	_ =	shalt  }
0x3e: {  	_ =	shalt  }
0x3f: {  	_ =	shalt  }
0x40: {  	_ =	shalt  }
0x41: {  	_ =	shalt  }
0x42: {  	_ =	shalt  }
0x43: {  	_ =	shalt  }
0x44: {  	_ =	shalt  }
0x45: {  	_ =	shalt  }
0x46: {  	_ =	shalt  }
0x47: {  	_ =	shalt  }
0x48: {  	_ =	shalt  }
0x49: {  	_ =	shalt  }
0x4a: {  	_ =	shalt  }
0x4b: {  	_ =	shalt  }
0x4c: {  	_ =	shalt  }
0x4d: {  	_ =	shalt  }
0x4e: {  	_ =	shalt  }
0x4f: {  	_ =	shalt  }
0x50: {  	_ =	shalt  }
0x51: {  	_ =	shalt  }
0x52: {  	_ =	shalt  }
0x53: {  	_ =	shalt  }
0x54: {  	_ =	shalt  }
0x55: {  	_ =	shalt  }
0x56: {  	_ =	shalt  }
0x57: {  	_ =	shalt  }
0x58: {  	_ =	shalt  }
0x59: {  	_ =	shalt  }
0x5a: {  	_ =	shalt  }
0x5b: {  	_ =	shalt  }
0x5c: {  	_ =	shalt  }
0x5d: {  	_ =	shalt  }
0x5e: {  	_ =	shalt  }
0x5f: {  	_ =	shalt  }
0x60: {  	_ =	shalt  }
0x61: {  	_ =	shalt  }
0x62: {  	_ =	shalt  }
0x63: {  	_ =	shalt  }
0x64: {  	_ =	shalt  }
0x65: {  	_ =	shalt  }
0x66: {  	_ =	shalt  }
0x67: {  	_ =	shalt  }
0x68: {  	_ =	shalt  }
0x69: {  	_ =	shalt  }
0x6a: {  	_ =	shalt  }
0x6b: {  	_ =	shalt  }
0x6c: {  	_ =	shalt  }
0x6d: {  	_ =	shalt  }
0x6e: {  	_ =	shalt  }
0x6f: {  	_ =	shalt  }
0x70: {  	_ =	shalt  }
0x71: {  	_ =	shalt  }
0x72: {  	_ =	shalt  }
0x73: {  	_ =	shalt  }
0x74: {  	_ =	shalt  }
0x75: {  	_ =	shalt  }
0x76: {  	_ =	shalt  }
0x77: {  	_ =	shalt  }
0x78: {  	_ =	shalt  }
0x79: {  	_ =	shalt  }
0x7a: {  	_ =	shalt  }
0x7b: {  	_ =	shalt  }
0x7c: {  	_ =	shalt  }
0x7d: {  	_ =	shalt  }
0x7e: {  	_ =	shalt  }
0x7f: {  	_ =	shalt  }
0x80: {  	_ =	shalt  }
0x81: {  	_ =	shalt  }
0x82: {  	_ =	shalt  }
0x83: {  	_ =	shalt  }
0x84: {  	_ =	shalt  }
0x85: {  	_ =	shalt  }
0x86: {  	_ =	shalt  }
0x87: {  	_ =	shalt  }
.Lfunc_end0:
.L_simem_size_0:
called_computation_lowered:
.L_overlay_start_0:
0x88: {  	s2 =	sld [smem:$0x3FD9]  }
0x89: {  	s3 =	sld [smem:$0x3FFE];
	_ =	sdelay $0x1  }
0x8a: {  	s1 =	srdreg.scid  }
0x8b: {  	s0 =	sand.u32 $0x1, s1  }
0x8c: {  	s14 =	sshll.u32 s0, $0xA;
	s2 =	sadd.s32 s3, s2  }
0x8d: {  	s2 =	sadd.s32 s2, s14  }
0x8e: {  	[smem:$0x3FC4] =	sst s2  }
0x8f: {  	_ = 	snop  }
0x90: {  	s2 =	sld [smem:$0x3FD0];
	_ =	sdelay $0x2  }
0x91: {  	s15 =	simm.s32 $0xA;
	s4 =	simm.s32 $0x10  }
0x92: {  	[smem:s4], [sflag:s15] =	dma.local [hbm:s2], $0x1  }
0x93: {  	_ =	swait.eq [sflag:s15], $0x1  }
0x94: {  	[sflag:s15] =	ssyncset.done $0x0  }
0x95: {  	[sflag:s15] =	ssyncadd.s32 $0xFFFFFFFF  }
0x96: {  	s16 =	sld [smem:$0x10];
	(tm) =	ssettm $0x1  }
0x97: {  	s17 =	sld [smem:$0x3FFB];
	_ =	sdelay $0x3  }
0x98: {  	_ =	strace s17  }
0x99: {  	s3 =	sld [smem:$0x3FFC];
	_ =	sdelay $0x3  }
0x9a: {  	_ =	strace s3  }
0x9b: {  	s3 =	sld [smem:$0x3FFD];
	_ =	sdelay $0x3  }
0x9c: {  	_ =	strace s3  }
0x9d: {  	_ =	strace $0x8FFFFFFF  }
0x9e: {  	s18 =	sld [smem:$0x3FDB];
	_ =	sdelay $0x1  }
0x9f: {  	s19 =	simm.s32 $_scs_section_size  }
0xa0: {  	s5 =	simm.s32 $_size__tile_overlayer_lowered;
	s6 =	simm.s32 $_tile_overlayer_lowered  }
0xa1: {  	s22 =	simm.s32 $0x1BFF;
	s21 =	sshll.u32 s6, $0x1;
	s3 =	sadd.s32 s19, s18  }
0xa2: {  	s7 =	simm.s32 $0x0;
	s20 =	sshll.u32 s5, $0x1;
	s5 =	sadd.s32 s21, s3  }
0xa3: {  	[timem:s7], [sflag:s22] =	dma.local [hbm:s5], s20  }
0xa4: {  	_ =	swait.ge [sflag:s22], s20  }
0xa5: {  	s4 =	ssub.s32 $0x0, s20;
	[sflag:s22] =	ssyncset.done $0x0  }
0xa6: {  	[sflag:s22] =	ssyncadd.s32 s4;
	_ =	sdelay $0x1  }
0xa7: {  	s23 =	simm.s32 $0x1B8B  }
0xa8: {  	_ =	swait.ge [sflag:s23], $0x1  }
0xa9: {  	[sflag:s23] =	ssyncset.done $0x0  }
0xaa: {  	s25 =	simm.s32 $0x1B8E;
	s24 =	sld [smem:$0x3FFE];
	[sflag:s23] =	ssyncadd.s32 $0xFFFFFFFF  }
0xab: {  	s26 =	simm.s32 $execute0_lowered;
	[smem:$0x3FD2] =	sst s25  }
0xac: {  	s5 =	sshll.u32 s26, $0x1;
	_ =	strace $0x80000046;
	[dreg:$0x1] =	wrdreg $0xFFFFFFFF  }
0xad: {  	s28 =	simm.s32 $_size_execute0_lowered;
	s3 =	sadd.s32 s3, s5;
	[dreg:$0x0] =	wrdreg $0x0  }
0xae: {  	s5 =	sshll.u32 s28, $0x1;
	[dreg:$0x2] =	wrdreg s3  }
0xaf: {  	[dreg:$0x3] =	wrdreg s5  }
0xb0: {  	[dreg:$0x4] =	wrdreg $0xC0  }
0xb1: {  	_ =	task [dreg:s7], $0x5FFFF  }
0xb2: {  	[dreg:$0x1] =	wrdreg $0xFFFFFFFF  }
0xb3: {  	[dreg:$0x0] =	wrdreg $0x60  }
0xb4: {  	[dreg:$0x2] =	wrdreg s24  }
0xb5: {  	[dreg:$0x3] =	wrdreg s16  }
0xb6: {  	[dreg:$0x4] =	wrdreg $0x9  }
0xb7: {  	_ =	task.clear_ibuf [dreg:s7], $0x5FFFF;
	_ =	strace $0x90000046  }
0xb8: {  	s29 =	simm.s32 $0x9;
	_ =	strace $0x80000048  }
0xb9: {  	_ =	swait.ge [sflag:s29], $0x1  }
0xba: {  	[sflag:s29] =	ssyncadd.s32 $0xFFFFFFFF  }
0xbb: {  	_ =	strace $0x90000048  }
0xbc: {  	_ =	sfence  }
0xbd: {  	s30 =	sld [smem:$0x0];
	_ =	sdelay $0x2  }
0xbe: {  	s31 =	sshll.u32 s1, $0xD;
	s1 =	sshrl.u32 s1, $0x2  }
0xbf: {  	s3 =	sand.u32 $0x4000, s31;
	s1 =	sadd.s32 s1, s30  }
0xc0: {  	s0 =	sor.u32 s3, s0;
	s1 =	sshll.u32 s1, $0x11  }
0xc1: {  	s0 =	sor.u32 s1, s0  }
0xc2: {  	s0 =	sadd.s32 $0x8F2B, s0  }
0xc3: {  	[sflag:s0] =	ssyncadd.remote.s32 $0x1  }
0xc4: {  	_ =	sfence.sel $0xFFFF  }
0xc5: {  	[dreg:$0x0] =	wrdreg $0xFFFFFFFF;
	(pc) =	sbr.abs _section_cstart, $3  }
0xc6: {  	[dreg:$0x1] =	wrdreg $0xFFFFFFFF  }
0xc7: {  	_ =	task.clear_ibuf [dreg:s7], $0x2FFFF;
	_ =	strace $0x9FFFFFFF  }
0xc8: {  	(tm) =	ssettm $0x7FFFFFFF  }
0xc9: {  	_ =	shalt  }
tec
execute0_lowered:
.L_overlay_start_1:
0x0: {  	(tag) =	ssettag $0x1  }
0x1: {  	s0 =	rddreg [dreg:$0x0]  }
0x2: {  	s2 =	rddreg [dreg:$0x1]  }
0x3: {  	s3 =	simm.s32 $0x0;
	s5 =	stileid.u32;
	s1 =	srdreg.scid  }
0x4: {  	s16 =	simm.s32 $0x2;
	s28 =	simm.s32 $0x1;
	s29 =	simm.s32 $0x9900  }
0x5: {  	s30 =	simm.s32 $0x0;
	s4 =	sshll.u32 s5, $0xB;
	s1 =	sand.u32 $0x1, s1  }
0x6: {  	s5 =	sshll.u32 s5, $0x1;
	[smem:$0x7FF] =	sst s3;
	s11 =	sand.u32 $0x7000, s4  }
0x7: {  	s20 =	sor.u32 s1, s5;
	_ =	strace $0x80000047;
	s1 =	ssub.s32 $0x2, s1  }
0x8: {  	s5 =	sadd.s32 $0x144800, s0;
	s21 =	sshrl.u32 s11, $0x3;
	s6 =	sshll.u32 s20, $0x6  }
0x9: {  	s22 =	sshrl.u32 s1, $0x1;
	s14 =	sshll.u32 s20, $0xD;
	s7 =	sadd.s32 s21, s0  }
0xa: {  	s8 =	sadd.s32 s6, s0;
	s6 =	sadd.s32 $0xC4800, s0;
	s23 =	sadd.s32 $0x6800, s7  }
0xb: {  	s0 =	ssub.s32 s1, s22;
	s24 =	sadd.s32 $0x5800, s7;
	[dreg:$0x3] =	wrdreg s23  }
.Ltmp0:
0xc: {  	s25 =	sadd.s32 $0x4800, s7;
	[dreg:$0x4] =	wrdreg s24;
	(pc) =	sbr.rel .LBB2_1-.Ltmp0, $4  }
0xd: {  	s26 =	sadd.s32 $0x4000, s8;
	s31 =	sadd.s32 $0x2800, s8;
	[dreg:$0x5] =	wrdreg s25  }
0xe: {  	s12 =	sadd.s32 $0x3000, s8;
	s13 =	sadd.s32 $0x3800, s8;
	[dreg:$0x6] =	wrdreg s26  }
0xf: {  	vm0 =	vmmov $0x1;
	s15 =	smax.u32 s0, $0x1;
	[dreg:$0x7] =	wrdreg s31;
	s23 =	simm.s32 $0x3800  }
0x10: {  	v1 =	vlaneseq.u32;
	v2 =	vimm.s32 $0x0;
	v0 =	vmov s11;
	s24 =	simm.s32 $0x5800;
	s25 =	simm.s32 $0x40;
	s26 =	simm.s32 $0x5900  }
.LBB2_25:
0x11: {  	s30 =	sadd.s32 $0x1, s30  }
0x12: {  	p0 =	sne.s32 s30, s15  }
.Ltmp1:
0x13: {  	_ = 	snop;
	(pc) =	sbr.rel @!p0 .LBB2_26-.Ltmp1, $1  }
0x14: {  	_ =	sdelay $0x3  }
.LBB2_1:
0x15: {  	s0 =	rddreg [dreg:$0x3]  }
0x16: {  	[tilespmem:s3], [sflag:$0x2] =	stream.linear.gather [hbm4b:s0+s3], $0x1000, $0x38;
	[tilespmem:$0xB900] =	vst v63  }
0x17: {  	_ =	swait.ge [sflag:s16], $0x1000  }
0x18: {  	[sflag:s16] =	ssyncset.done $0x0  }
0x19: {  	s1 =	simm.s32 $0x1000;
	s8 =	rddreg [dreg:$0x4];
	[sflag:s16] =	ssyncadd.s32 $0xFFFFF000  }
0x1a: {  	[tilespmem:s1], [sflag:$0x2] =	stream.linear.gather [hbm4b:s8+s3], $0x1000, $0x38;
	[tilespmem:$0xB900] =	vst v63  }
0x1b: {  	_ =	swait.ge [sflag:s16], $0x1000  }
0x1c: {  	[sflag:s16] =	ssyncset.done $0x0  }
0x1d: {  	s10 =	simm.s32 $0x2000;
	s9 =	rddreg [dreg:$0x5];
	[sflag:s16] =	ssyncadd.s32 $0xFFFFF000  }
0x1e: {  	[tilespmem:s10], [sflag:$0x2] =	stream.linear.gather [hbm4b:s9+s3], $0x1000, $0x38;
	[tilespmem:$0xB900] =	vst v63  }
0x1f: {  	_ =	swait.ge [sflag:s16], $0x1000  }
0x20: {  	[sflag:s16] =	ssyncset.done $0x0  }
0x21: {  	s18 =	simm.s32 $0x3000;
	s17 =	rddreg [dreg:$0x6];
	[sflag:s16] =	ssyncadd.s32 $0xFFFFF000  }
0x22: {  	[tilespmem:s18], [sflag:$0x2] =	stream.linear.gather [hbm4b:s17+s3], $0x200, $0x38;
	[tilespmem:$0xB900] =	vst v63  }
0x23: {  	_ =	swait.ge [sflag:s16], $0x200  }
0x24: {  	[sflag:s16] =	ssyncset.done $0x0  }
0x25: {  	s20 =	simm.s32 $0x3200;
	s19 =	rddreg [dreg:$0x7];
	[sflag:s16] =	ssyncadd.s32 $0xFFFFFE00  }
0x26: {  	[tilespmem:s20], [sflag:$0x2] =	stream.linear.gather [hbm4b:s19+s3], $0x200, $0x38;
	[tilespmem:$0xB900] =	vst v63  }
0x27: {  	_ =	swait.ge [sflag:s16], $0x200  }
0x28: {  	[sflag:s16] =	ssyncset.done $0x0  }
0x29: {  	s21 =	simm.s32 $0x3400;
	[sflag:s16] =	ssyncadd.s32 $0xFFFFFE00  }
0x2a: {  	[tilespmem:s21], [sflag:$0x2] =	stream.linear.gather [hbm4b:s12+s3], $0x200, $0x38;
	[tilespmem:$0xB900] =	vst v63  }
0x2b: {  	_ =	swait.ge [sflag:s16], $0x200  }
0x2c: {  	[sflag:s16] =	ssyncset.done $0x0  }
.Ltmp2:
0x2d: {  	s22 =	simm.s32 $0x3600;
	[sflag:s16] =	ssyncadd.s32 $0xFFFFFE00;
	(pc) =	sbr.rel .LBB2_2-.Ltmp2, $4  }
0x2e: {  	[tilespmem:s22], [sflag:$0x2] =	stream.linear.gather [hbm4b:s13+s3], $0x200, $0x38;
	[tilespmem:$0xB900] =	vst v63  }
0x2f: {  	_ =	swait.ge [sflag:s16], $0x200  }
0x30: {  	[sflag:s16] =	ssyncset.done $0x0  }
0x31: {  	s31 =	simm.s32 $0x0;
	[sflag:s16] =	ssyncadd.s32 $0xFFFFFE00  }
.LBB2_17:
0x32: {  	v10 =	vimm.f32 $-Inf;
	v8 =	vimm.f32 $-Inf  }
0x33: {  	v6 =	vimm.f32 $-Inf;
	v5 =	vimm.f32 $-Inf;
	v9 =	vimm.f32 $-Inf  }
0x34: {  	v7 =	vimm.f32 $-Inf;
	v3 =	vimm.f32 $-Inf;
	v4 =	vimm.f32 $-Inf  }
.LBB2_24:
0x35: {  	v11 =	vld [tilespmem:$0x5780]  }
0x36: {  	v12 =	vld [tilespmem:$0x5790]  }
0x37: {  	v13 =	vld [tilespmem:$0x57A0]  }
0x38: {  	v14 =	vld [tilespmem:$0x57B0]  }
0x39: {  	v15 =	vld [tilespmem:$0x57C0]  }
0x3a: {  	v57 =	vld [tilespmem:$0x57D0];
	v10 =	vsub.f32 v10, v11  }
0x3b: {  	v58 =	vld [tilespmem:$0x57E0];
	v8 =	vsub.f32 v8, v12  }
0x3c: {  	v59 =	vld [tilespmem:$0x57F0];
	v6 =	vsub.f32 v6, v13;
	v10 =	vmax.f32 v10, $0.0e+00  }
0x3d: {  	v5 =	vsub.f32 v5, v14;
	v8 =	vmax.f32 v8, $0.0e+00;
	[tilespmem:$0xB880] =	vst v10  }
0x3e: {  	v60 =	vsub.f32 v9, v15;
	v6 =	vmax.f32 v6, $0.0e+00;
	[tilespmem:$0xB890] =	vst v8  }
0x3f: {  	v61 =	vsub.f32 v7, v57;
	v5 =	vmax.f32 v5, $0.0e+00;
	[tilespmem:$0xB8A0] =	vst v6  }
0x40: {  	v3 =	vsub.f32 v3, v58;
	v62 =	vmax.f32 v60, $0.0e+00;
	[tilespmem:$0xB8B0] =	vst v5  }
0x41: {  	v4 =	vsub.f32 v4, v59;
	v63 =	vmax.f32 v61, $0.0e+00;
	[tilespmem:$0xB8C0] =	vst v62  }
0x42: {  	s31 =	sadd.s32 $0x1, s31;
	v3 =	vmax.f32 v3, $0.0e+00;
	[tilespmem:$0xB8D0] =	vst v63  }
0x43: {  	p0 =	sne.s32 s31, $0x8;
	[tilespmem:$0xB8E0] =	vst v3;
	v3 =	vmax.f32 v4, $0.0e+00  }
.Ltmp3:
0x44: {  	s0 =	sadd.s32 s2, s0;
	[tilespmem:$0xB8F0] =	vst v3;
	(pc) =	sbr.rel @!p0 .LBB2_25-.Ltmp3, $4  }
0x45: {  	[hbm4b:s0+s3] =	stream.linear.scatter [tilespmem:s29], [sflag:$0x2], $0x2000, $0x38;
	[tilespmem:$0xB900] =	vst v63  }
0x46: {  	_ =	swait.ge [sflag:s16], $0x2000  }
0x47: {  	[sflag:s16] =	ssyncset.done $0x0  }
0x48: {  	[sflag:s16] =	ssyncadd.s32 $0xFFFFE000  }
.LBB2_2:
0x49: {  	s0 =	sshll.u32 s31, $0xA  }
0x4a: {  	s0 =	sadd.s32 s14, s0  }
0x4b: {  	s17 =	simm.s32 $0x0;
	s1 =	sadd.s32 s5, s0  }
0x4c: {  	[tilespmem:s23], [sflag:$0x2] =	stream.linear.gather [hbm4b:s1+s17], $0x2000, $0x38;
	[tilespmem:$0xB900] =	vst v63  }
0x4d: {  	_ =	swait.ge [sflag:s16], $0x2000  }
0x4e: {  	[sflag:s16] =	ssyncset.done $0x0  }
0x4f: {  	s1 =	sshll.u32 s31, $0x6;
	[sflag:s16] =	ssyncadd.s32 $0xFFFFE000  }
0x50: {  	v3 =	vld [tilespmem:s1+$0x3000];
	_ =	sdelay $0x2  }
0x51: {  	v4 =	vld [tilespmem:s1+$0x3200]  }
0x52: {  	v5 =	vld [tilespmem:s1+$0x3400]  }
0x53: {  	v3 =	vnsel vm0, $0x0, v3  }
0x54: {  	(xrf0) =	vadd.scan.msk.s32 $0xffff, v3;
	v3 =	vld [tilespmem:s1+$0x3600];
	_ =	sdelay $0x1  }
0x55: {  	v4 =	vnsel vm0, $0x0, v4  }
0x56: {  	(xrf2) =	vadd.scan.msk.f32 $0xffff, v4;
	v4 =	vnsel vm0, $0x0, v5;
	_ =	sdelay $0x1  }
0x57: {  	(xrf2) =	vadd.scan.msk.f32 $0xffff, v4;
	v3 =	vnsel vm0, $0x0, v3  }
0x58: {  	v4, _, _ =	vpop (xrf0);
	(xrf2) =	vadd.scan.msk.f32 $0xffff, v3  }
0x59: {  	v3 =	vbroadcast v4, $0xF;
	_ =	sdelay $0x1  }
0x5a: {  	v3 =	vadd.s32 v0, v3  }
0x5b: {  	[tilespmem:$0x5800] =	vst v3  }
0x5c: {  	[tilespmem:$0x5810] =	vst v3  }
0x5d: {  	[tilespmem:$0x5820] =	vst v3  }
0x5e: {  	[tilespmem:$0x5830] =	vst v3  }
0x5f: {  	v4, _, _ =	vpop (xrf2);
	[tilespmem:$0x5840] =	vst v3  }
0x60: {  	[tilespmem:$0x5850] =	vst v3;
	v5, _, _ =	vpop (xrf2)  }
0x61: {  	s18 =	simm.s32 $0x2020;
	[tilespmem:$0x5860] =	vst v3;
	v4 =	vbroadcast v4, $0xF;
	v6, _, _ =	vpop (xrf2)  }
0x62: {  	v7 =	vimm.s32 $0x0;
	s7 =	simm.s32 $0x1020;
	s8 =	simm.s32 $0x20;
	s9 =	smov.u32 s11;
	[tilespmem:$0x5870] =	vst v3;
	v5 =	vbroadcast v5, $0xF;
	v6 =	vbroadcast v6, $0xF  }
.LBB2_3:
0x63: {  	v8 =	vld [tilespmem:s8+$0xFFFFFFE0]  }
0x64: {  	v9 =	vld [tilespmem:s7+$0xFFFFFFE0];
	_ =	sdelay $0x1  }
0x65: {  	v10 =	vld [tilespmem:s18+$0xFFFFFFE0];
	_ =	sdelay $0x2  }
0x66: {  	v8 =	vsub.f32 v8, v4;
	v9 =	vsub.f32 v9, v5;
	_ =	sdelay $0x1  }
0x67: {  	v10 =	vsub.f32 v10, v6;
	v8 =	vmul.f32 v8, v8;
	v9 =	vmul.f32 v9, v9;
	_ =	sdelay $0x1  }
0x68: {  	v50 =	vmul.f32 v10, v10;
	v8 =	vadd.f32 v9, v8;
	_ =	sdelay $0x1  }
0x69: {  	v8 =	vadd.f32 v50, v8  }
0x6a: {  	v51 =	vor.u32 s9, v1  }
0x6b: {  	vm2 =	vne.s32 v51, v3;
	vm1 =	vle.f32 v8, $3.999999910e-02  }
0x6c: {  	vm1 =	vmand vm2, vm1  }
0x6d: {  	v8 =	vsel vm1, $0x1, v2  }
0x6e: {  	(xrf0) =	vadd.scan.msk.s32 $0xffff, v8;
	_ =	sdelay $0x5  }
0x6f: {  	v8, _, _ =	vpop (xrf0)  }
0x70: {  	v8 =	vadd.s32 v8, v7  }
0x71: {  	v8 =	vadd.s32 $0xFFFFFFFF, v8;
	_ =	sdelay $0x4  }
0x72: {  	[tilespmem:v8+s24+$0x0] =	vst.idx.msk vm1, v51  }
0x73: {  	v8 =	vld [tilespmem:s8+$0xFFFFFFF0]  }
0x74: {  	v9 =	vld [tilespmem:s7+$0xFFFFFFF0];
	_ =	sdelay $0x1  }
0x75: {  	v52 =	vld [tilespmem:s18+$0xFFFFFFF0];
	_ =	sdelay $0x2  }
0x76: {  	v8 =	vsub.f32 v8, v4;
	v9 =	vsub.f32 v9, v5;
	_ =	sdelay $0x1  }
0x77: {  	v10 =	vsub.f32 v52, v6;
	v8 =	vmul.f32 v8, v8;
	v9 =	vmul.f32 v9, v9;
	_ =	sdelay $0x1  }
0x78: {  	v53 =	vmul.f32 v10, v10;
	v8 =	vadd.f32 v9, v8;
	_ =	sdelay $0x1  }
0x79: {  	s4 =	sadd.s32 $0x10, s9;
	v8 =	vadd.f32 v53, v8  }
0x7a: {  	v54 =	vor.u32 s4, v1  }
0x7b: {  	vm3 =	vne.s32 v54, v3;
	vm2 =	vle.f32 v8, $3.999999910e-02  }
0x7c: {  	vm2 =	vmand vm3, vm2  }
0x7d: {  	v8 =	vsel vm2, $0x1, v2  }
0x7e: {  	(xrf0) =	vadd.scan.msk.s32 $0xffff, v8;
	_ =	sdelay $0x1  }
0x7f: {  	v8 =	vmpcnt.ones.xlane vm1;
	_ =	sdelay $0x3  }
0x80: {  	v7 =	vadd.s32 v7, v8;
	v8, _, _ =	vpop (xrf0)  }
0x81: {  	v8 =	vadd.s32 v8, v7  }
0x82: {  	v8 =	vadd.s32 $0xFFFFFFFF, v8;
	_ =	sdelay $0x4  }
0x83: {  	[tilespmem:v8+s24+$0x0] =	vst.idx.msk vm2, v54  }
0x84: {  	v8 =	vld [tilespmem:s8+$0x0]  }
0x85: {  	v9 =	vld [tilespmem:s7+$0x0];
	_ =	sdelay $0x1  }
0x86: {  	v55 =	vld [tilespmem:s18+$0x0];
	_ =	sdelay $0x2  }
0x87: {  	v8 =	vsub.f32 v8, v4;
	v9 =	vsub.f32 v9, v5;
	_ =	sdelay $0x1  }
0x88: {  	v10 =	vsub.f32 v55, v6;
	v8 =	vmul.f32 v8, v8;
	v9 =	vmul.f32 v9, v9;
	_ =	sdelay $0x1  }
0x89: {  	v56 =	vmul.f32 v10, v10;
	v8 =	vadd.f32 v9, v8;
	_ =	sdelay $0x1  }
0x8a: {  	s20 =	sadd.s32 $0x20, s9;
	v8 =	vadd.f32 v56, v8  }
0x8b: {  	v57 =	vor.u32 s20, v1  }
0x8c: {  	vm3 =	vne.s32 v57, v3;
	vm1 =	vle.f32 v8, $3.999999910e-02  }
0x8d: {  	vm1 =	vmand vm3, vm1  }
0x8e: {  	v8 =	vsel vm1, $0x1, v2  }
0x8f: {  	(xrf0) =	vadd.scan.msk.s32 $0xffff, v8;
	_ =	sdelay $0x1  }
0x90: {  	v8 =	vmpcnt.ones.xlane vm2;
	_ =	sdelay $0x3  }
0x91: {  	v7 =	vadd.s32 v7, v8;
	v8, _, _ =	vpop (xrf0)  }
0x92: {  	v8 =	vadd.s32 v8, v7  }
0x93: {  	v8 =	vadd.s32 $0xFFFFFFFF, v8;
	_ =	sdelay $0x4  }
0x94: {  	[tilespmem:v8+s24+$0x0] =	vst.idx.msk vm1, v57  }
0x95: {  	v8 =	vld [tilespmem:s8+$0x10]  }
0x96: {  	v9 =	vld [tilespmem:s7+$0x10];
	_ =	sdelay $0x1  }
0x97: {  	v58 =	vld [tilespmem:s18+$0x10];
	_ =	sdelay $0x2  }
0x98: {  	v8 =	vsub.f32 v8, v4;
	v9 =	vsub.f32 v9, v5;
	_ =	sdelay $0x1  }
0x99: {  	v10 =	vsub.f32 v58, v6;
	v8 =	vmul.f32 v8, v8;
	v9 =	vmul.f32 v9, v9;
	_ =	sdelay $0x1  }
0x9a: {  	v59 =	vmul.f32 v10, v10;
	v8 =	vadd.f32 v9, v8;
	_ =	sdelay $0x1  }
0x9b: {  	s21 =	sadd.s32 $0x30, s9;
	v8 =	vadd.f32 v59, v8  }
0x9c: {  	v60 =	vor.u32 s21, v1  }
0x9d: {  	vm3 =	vne.s32 v60, v3;
	vm2 =	vle.f32 v8, $3.999999910e-02  }
0x9e: {  	v8 =	vmpcnt.ones.xlane vm1;
	vm1 =	vmand vm3, vm2  }
0x9f: {  	v61 =	vmpcnt.ones.xlane vm1  }
0xa0: {  	v8 =	vadd.s32 v7, v8  }
0xa1: {  	v11 =	vsel vm1, $0x1, v2;
	v7 =	vadd.s32 v8, v61  }
0xa2: {  	(xrf0) =	vadd.scan.msk.s32 $0xffff, v11;
	v10 =	vxor.u32 $0x80000000, v7  }
0xa3: {  	(xrf0) =	vmax.scan.msk.u32 $0xffff, v10;
	_ =	sdelay $0x4  }
0xa4: {  	v62, _, _ =	vpop (xrf0)  }
0xa5: {  	v63, _, _ =	vpop (xrf0)  }
0xa6: {  	(v2sf) =	vpush v63, $0xF;
	_ =	sdelay $0xe  }
0xa7: {  	s22 =	spop (v2sf)  }
0xa8: {  	p0 =	sgt.u32 s17, $0x3E;
	s20 =	sxor.u32 $0x80000000, s22  }
0xa9: {  	v8 =	vadd.s32 v62, v8;
	p1 =	slt.s32 @!p0 s20, $0x40  }
0xaa: {  	v8 =	vadd.s32 $0xFFFFFFFF, v8;
	p0 =	por p0, !p1  }
.Ltmp4:
0xab: {  	_ = 	snop;
	(pc) =	sbr.rel @!p0 .LBB2_3-.Ltmp4, $3  }
0xac: {  	_ =	sdelay $0x1  }
0xad: {  	s17 =	sadd.s32 $0x1, s17;
	s9 =	sadd.s32 $0x40, s9  }
0xae: {  	s18 =	sadd.s32 $0x40, s18;
	s7 =	sadd.s32 $0x40, s7;
	s8 =	sadd.s32 $0x40, s8;
	[tilespmem:v8+s24+$0x0] =	vst.idx.msk vm1, v60  }
.Ltmp5:
0xaf: {  	(pc) =	sbr.rel .LBB2_5-.Ltmp5, $4  }
0xb0: {  	_ = 	snop  }
0xb1: {  	[tilespmem:s26], [sflag:$0x1] =	stream.indirect.gather [hbm4b:s6+s25], $0x80, s24, s25, $0xb8;
	[tilespmem:$0xB900] =	vst v63  }
0xb2: {  	p0 =	slt.s32 s20, $0x40  }
0xb3: {  	s17 =	simm.s32 $0x1;
	s20 =	simm.s32 @!p0 $0x40  }
.LBB2_8:
0xb4: {  	v10 =	vimm.f32 $-Inf;
	v8 =	vimm.f32 $-Inf  }
0xb5: {  	v6 =	vimm.f32 $-Inf;
	v5 =	vimm.f32 $-Inf;
	v9 =	vimm.f32 $-Inf  }
0xb6: {  	v7 =	vimm.f32 $-Inf;
	v3 =	vimm.f32 $-Inf;
	v4 =	vimm.f32 $-Inf  }
.LBB2_15:
0xb7: {  	s4 =	sshll.u32 s17, $0x7  }
0xb8: {  	v11 =	vld [tilespmem:s4+$0x3780]  }
0xb9: {  	v12 =	vld [tilespmem:s4+$0x3790]  }
0xba: {  	v13 =	vld [tilespmem:s4+$0x37A0]  }
0xbb: {  	v14 =	vld [tilespmem:s4+$0x37B0]  }
0xbc: {  	v15 =	vld [tilespmem:s4+$0x37C0]  }
0xbd: {  	v57 =	vld [tilespmem:s4+$0x37D0];
	v10 =	vsub.f32 v10, v11  }
0xbe: {  	v58 =	vld [tilespmem:s4+$0x37E0];
	v8 =	vsub.f32 v8, v12  }
0xbf: {  	v59 =	vld [tilespmem:s4+$0x37F0];
	v6 =	vsub.f32 v6, v13;
	v10 =	vmax.f32 v10, $0.0e+00  }
0xc0: {  	v5 =	vsub.f32 v5, v14;
	v8 =	vmax.f32 v8, $0.0e+00;
	[tilespmem:s4+$0x9880] =	vst v10  }
0xc1: {  	s17 =	sadd.s32 $0x1, s17;
	v60 =	vsub.f32 v9, v15;
	v6 =	vmax.f32 v6, $0.0e+00;
	[tilespmem:s4+$0x9890] =	vst v8  }
0xc2: {  	p1 =	sne.s32 s17, $0x40;
	v61 =	vsub.f32 v7, v57;
	v5 =	vmax.f32 v5, $0.0e+00;
	[tilespmem:s4+$0x98A0] =	vst v6  }
.Ltmp6:
0xc3: {  	v3 =	vsub.f32 v3, v58;
	v62 =	vmax.f32 v60, $0.0e+00;
	[tilespmem:s4+$0x98B0] =	vst v5;
	(pc) =	sbr.rel @!p1 .LBB2_16-.Ltmp6, $4  }
0xc4: {  	v4 =	vsub.f32 v4, v59;
	v63 =	vmax.f32 v61, $0.0e+00;
	[tilespmem:s4+$0x98C0] =	vst v62  }
0xc5: {  	v3 =	vmax.f32 v3, $0.0e+00;
	[tilespmem:s4+$0x98D0] =	vst v63  }
0xc6: {  	p0 =	slt.s32 s18, $0x40;
	s20 =	smov.u32 s18;
	[tilespmem:s4+$0x98E0] =	vst v3;
	v3 =	vmax.f32 v4, $0.0e+00  }
0xc7: {  	s20 =	simm.s32 @!p0 $0x40;
	[tilespmem:s4+$0x98F0] =	vst v3  }
.LBB2_5:
0xc8: {  	s4 =	sand.u32 $0x30, s17  }
0xc9: {  	s4 =	sor.u32 s1, s4  }
0xca: {  	v3 =	vld [tilespmem:s4+$0x3000]  }
0xcb: {  	s7 =	sand.u32 $0xF, s17  }
0xcc: {  	v4 =	vmov s7  }
0xcd: {  	vm1 =	veq.s32 v4, v1;
	v4 =	vld [tilespmem:s4+$0x3200]  }
0xce: {  	v5 =	vld [tilespmem:s4+$0x3400]  }
0xcf: {  	v3 =	vnsel vm1, $0x0, v3  }
0xd0: {  	(xrf0) =	vadd.scan.msk.s32 $0xffff, v3;
	v3 =	vld [tilespmem:s4+$0x3600];
	_ =	sdelay $0x1  }
0xd1: {  	v4 =	vnsel vm1, $0x0, v4  }
0xd2: {  	(xrf2) =	vadd.scan.msk.f32 $0xffff, v4;
	v4 =	vnsel vm1, $0x0, v5;
	_ =	sdelay $0x1  }
0xd3: {  	(xrf2) =	vadd.scan.msk.f32 $0xffff, v4;
	v3 =	vnsel vm1, $0x0, v3  }
0xd4: {  	v4, _, _ =	vpop (xrf0);
	(xrf2) =	vadd.scan.msk.f32 $0xffff, v3  }
0xd5: {  	v3 =	vbroadcast v4, $0xF  }
0xd6: {  	s21 =	sand.u32 $0x1, s17  }
0xd7: {  	s19 =	sshll.u32 s21, $0x7;
	v3 =	vadd.s32 v0, v3  }
0xd8: {  	[tilespmem:s19+$0x5800] =	vst v3  }
0xd9: {  	[tilespmem:s19+$0x5810] =	vst v3  }
0xda: {  	[tilespmem:s19+$0x5820] =	vst v3  }
0xdb: {  	[tilespmem:s19+$0x5830] =	vst v3  }
0xdc: {  	v4, _, _ =	vpop (xrf2);
	[tilespmem:s19+$0x5840] =	vst v3  }
0xdd: {  	[tilespmem:s19+$0x5850] =	vst v3;
	v5, _, _ =	vpop (xrf2)  }
0xde: {  	s10 =	simm.s32 $0x0;
	s8 =	simm.s32 $0x1020;
	s9 =	simm.s32 $0x20;
	[tilespmem:s19+$0x5860] =	vst v3;
	v4 =	vbroadcast v4, $0xF;
	v6, _, _ =	vpop (xrf2)  }
0xdf: {  	v7 =	vimm.s32 $0x0;
	s7 =	simm.s32 $0x2020;
	s22 =	sor.u32 $0x5800, s19;
	s4 =	smov.u32 s11;
	[tilespmem:s19+$0x5870] =	vst v3;
	v5 =	vbroadcast v5, $0xF;
	v6 =	vbroadcast v6, $0xF  }
.LBB2_6:
0xe0: {  	v8 =	vld [tilespmem:s9+$0xFFFFFFE0]  }
0xe1: {  	v9 =	vld [tilespmem:s8+$0xFFFFFFE0];
	_ =	sdelay $0x1  }
0xe2: {  	v10 =	vld [tilespmem:s7+$0xFFFFFFE0];
	_ =	sdelay $0x2  }
0xe3: {  	v8 =	vsub.f32 v8, v4;
	v9 =	vsub.f32 v9, v5;
	_ =	sdelay $0x1  }
0xe4: {  	v10 =	vsub.f32 v10, v6;
	v8 =	vmul.f32 v8, v8;
	v9 =	vmul.f32 v9, v9;
	_ =	sdelay $0x1  }
0xe5: {  	v50 =	vmul.f32 v10, v10;
	v8 =	vadd.f32 v9, v8;
	_ =	sdelay $0x1  }
0xe6: {  	v8 =	vadd.f32 v50, v8  }
0xe7: {  	v51 =	vor.u32 s4, v1  }
0xe8: {  	vm2 =	vne.s32 v51, v3;
	vm1 =	vle.f32 v8, $3.999999910e-02  }
0xe9: {  	vm1 =	vmand vm2, vm1  }
0xea: {  	v8 =	vsel vm1, $0x1, v2  }
0xeb: {  	(xrf0) =	vadd.scan.msk.s32 $0xffff, v8;
	_ =	sdelay $0x5  }
0xec: {  	v8, _, _ =	vpop (xrf0)  }
0xed: {  	v8 =	vadd.s32 v8, v7  }
0xee: {  	v8 =	vadd.s32 $0xFFFFFFFF, v8;
	_ =	sdelay $0x4  }
0xef: {  	[tilespmem:v8+s22+$0x0] =	vst.idx.msk vm1, v51  }
0xf0: {  	v8 =	vld [tilespmem:s9+$0xFFFFFFF0]  }
0xf1: {  	v9 =	vld [tilespmem:s8+$0xFFFFFFF0];
	_ =	sdelay $0x1  }
0xf2: {  	v52 =	vld [tilespmem:s7+$0xFFFFFFF0];
	_ =	sdelay $0x2  }
0xf3: {  	v8 =	vsub.f32 v8, v4;
	v9 =	vsub.f32 v9, v5;
	_ =	sdelay $0x1  }
0xf4: {  	v10 =	vsub.f32 v52, v6;
	v8 =	vmul.f32 v8, v8;
	v9 =	vmul.f32 v9, v9;
	_ =	sdelay $0x1  }
0xf5: {  	v53 =	vmul.f32 v10, v10;
	v8 =	vadd.f32 v9, v8;
	_ =	sdelay $0x1  }
0xf6: {  	s18 =	sadd.s32 $0x10, s4;
	v8 =	vadd.f32 v53, v8  }
0xf7: {  	v54 =	vor.u32 s18, v1  }
0xf8: {  	vm3 =	vne.s32 v54, v3;
	vm2 =	vle.f32 v8, $3.999999910e-02  }
0xf9: {  	vm2 =	vmand vm3, vm2  }
0xfa: {  	v8 =	vsel vm2, $0x1, v2  }
0xfb: {  	(xrf0) =	vadd.scan.msk.s32 $0xffff, v8;
	_ =	sdelay $0x1  }
0xfc: {  	v8 =	vmpcnt.ones.xlane vm1;
	_ =	sdelay $0x3  }
0xfd: {  	v7 =	vadd.s32 v7, v8;
	v8, _, _ =	vpop (xrf0)  }
0xfe: {  	v8 =	vadd.s32 v8, v7  }
0xff: {  	v8 =	vadd.s32 $0xFFFFFFFF, v8;
	_ =	sdelay $0x4  }
0x100: {  	[tilespmem:v8+s22+$0x0] =	vst.idx.msk vm2, v54  }
0x101: {  	v8 =	vld [tilespmem:s9+$0x0]  }
0x102: {  	v9 =	vld [tilespmem:s8+$0x0];
	_ =	sdelay $0x1  }
0x103: {  	v55 =	vld [tilespmem:s7+$0x0];
	_ =	sdelay $0x2  }
0x104: {  	v8 =	vsub.f32 v8, v4;
	v9 =	vsub.f32 v9, v5;
	_ =	sdelay $0x1  }
0x105: {  	v10 =	vsub.f32 v55, v6;
	v8 =	vmul.f32 v8, v8;
	v9 =	vmul.f32 v9, v9;
	_ =	sdelay $0x1  }
0x106: {  	v56 =	vmul.f32 v10, v10;
	v8 =	vadd.f32 v9, v8;
	_ =	sdelay $0x1  }
0x107: {  	s19 =	sadd.s32 $0x20, s4;
	v8 =	vadd.f32 v56, v8  }
0x108: {  	v57 =	vor.u32 s19, v1  }
0x109: {  	vm3 =	vne.s32 v57, v3;
	vm1 =	vle.f32 v8, $3.999999910e-02  }
0x10a: {  	vm1 =	vmand vm3, vm1  }
0x10b: {  	v8 =	vsel vm1, $0x1, v2  }
0x10c: {  	(xrf0) =	vadd.scan.msk.s32 $0xffff, v8;
	_ =	sdelay $0x1  }
0x10d: {  	v8 =	vmpcnt.ones.xlane vm2;
	_ =	sdelay $0x3  }
0x10e: {  	v7 =	vadd.s32 v7, v8;
	v8, _, _ =	vpop (xrf0)  }
0x10f: {  	v8 =	vadd.s32 v8, v7  }
0x110: {  	v8 =	vadd.s32 $0xFFFFFFFF, v8;
	_ =	sdelay $0x4  }
0x111: {  	[tilespmem:v8+s22+$0x0] =	vst.idx.msk vm1, v57  }
0x112: {  	v8 =	vld [tilespmem:s9+$0x10]  }
0x113: {  	v9 =	vld [tilespmem:s8+$0x10];
	_ =	sdelay $0x1  }
0x114: {  	v58 =	vld [tilespmem:s7+$0x10];
	_ =	sdelay $0x2  }
0x115: {  	v8 =	vsub.f32 v8, v4;
	v9 =	vsub.f32 v9, v5;
	_ =	sdelay $0x1  }
0x116: {  	v10 =	vsub.f32 v58, v6;
	v8 =	vmul.f32 v8, v8;
	v9 =	vmul.f32 v9, v9;
	_ =	sdelay $0x1  }
0x117: {  	v59 =	vmul.f32 v10, v10;
	v8 =	vadd.f32 v9, v8;
	_ =	sdelay $0x1  }
0x118: {  	s19 =	sadd.s32 $0x30, s4;
	v8 =	vadd.f32 v59, v8  }
0x119: {  	v60 =	vor.u32 s19, v1  }
0x11a: {  	vm3 =	vne.s32 v60, v3;
	vm2 =	vle.f32 v8, $3.999999910e-02  }
0x11b: {  	v8 =	vmpcnt.ones.xlane vm1;
	vm1 =	vmand vm3, vm2  }
0x11c: {  	v61 =	vmpcnt.ones.xlane vm1  }
0x11d: {  	v8 =	vadd.s32 v7, v8  }
0x11e: {  	v11 =	vsel vm1, $0x1, v2;
	v7 =	vadd.s32 v8, v61  }
0x11f: {  	(xrf0) =	vadd.scan.msk.s32 $0xffff, v11;
	v10 =	vxor.u32 $0x80000000, v7  }
0x120: {  	(xrf0) =	vmax.scan.msk.u32 $0xffff, v10;
	_ =	sdelay $0x4  }
0x121: {  	v62, _, _ =	vpop (xrf0)  }
0x122: {  	v63, _, _ =	vpop (xrf0)  }
0x123: {  	(v2sf) =	vpush v63, $0xF;
	_ =	sdelay $0xe  }
0x124: {  	s19 =	spop (v2sf)  }
0x125: {  	p0 =	sgt.u32 s10, $0x3E;
	s18 =	sxor.u32 $0x80000000, s19  }
0x126: {  	v8 =	vadd.s32 v62, v8;
	p1 =	slt.s32 @!p0 s18, $0x40  }
0x127: {  	v8 =	vadd.s32 $0xFFFFFFFF, v8;
	p0 =	por p0, !p1  }
.Ltmp7:
0x128: {  	_ = 	snop;
	(pc) =	sbr.rel @!p0 .LBB2_6-.Ltmp7, $3  }
0x129: {  	_ =	sdelay $0x1  }
0x12a: {  	s10 =	sadd.s32 $0x1, s10;
	s4 =	sadd.s32 $0x40, s4  }
0x12b: {  	s7 =	sadd.s32 $0x40, s7;
	s8 =	sadd.s32 $0x40, s8;
	s9 =	sadd.s32 $0x40, s9;
	[tilespmem:v8+s22+$0x0] =	vst.idx.msk vm1, v60  }
0x12c: {  	p0 =	slt.s32 s20, $0x1  }
.Ltmp8:
0x12d: {  	_ = 	snop;
	(pc) =	sbr.rel @p0 .LBB2_8-.Ltmp8, $4  }
0x12e: {  	_ =	swait.ge [sflag:s28], $0x2000  }
0x12f: {  	s4 =	sshll.u32 s21, $0xD;
	[sflag:s28] =	ssyncset.done $0x0  }
0x130: {  	s7 =	sor.u32 $0x5900, s4;
	[sflag:s28] =	ssyncadd.s32 $0xFFFFE000  }
0x131: {  	[tilespmem:s7], [sflag:$0x1] =	stream.indirect.gather [hbm4b:s6+s25], $0x80, s22, s25, $0xb8;
	[tilespmem:$0xB900] =	vst v63  }
0x132: {  	p1 =	sne.s32 s20, $0x1  }
.Ltmp9:
0x133: {  	_ = 	snop;
	(pc) =	sbr.rel @!p1 .LBB2_10-.Ltmp9, $4  }
0x134: {  	_ = 	snop  }
0x135: {  	s4 =	sxor.u32 $0x2000, s4  }
0x136: {  	s4 =	sor.u32 $0x5940, s4  }
0x137: {  	v3 =	vimm.f32 $-Inf;
	s7 =	sadd.s32 $0xFFFFFFFF, s20;
	p0 =	por $0x0, $0x0;
	v5 =	vld [tilespmem:s4+$0x30]  }
0x138: {  	v6 =	vld [tilespmem:s4+$0xFFFFFFD0]  }
0x139: {  	v7 =	vld [tilespmem:s4+$0xFFFFFFE0]  }
0x13a: {  	v8 =	vld [tilespmem:s4+$0xFFFFFFF0];
	p1 =	sne.s32 s7, $0x1  }
.Ltmp10:
0x13b: {  	v10 =	vld [tilespmem:s4+$0x0];
	(pc) =	sbr.rel @!p1 .LBB2_12-.Ltmp10, $4  }
0x13c: {  	v11 =	vld [tilespmem:s4+$0x10]  }
0x13d: {  	v12 =	vld [tilespmem:s4+$0x20];
	v13 =	vimm.f32 $-Inf;
	v15 =	vimm.f32 $-Inf  }
0x13e: {  	v14 =	vld [tilespmem:s4+$0xFFFFFFC0];
	s4 =	sadd.s32 $0x80, s4;
	v16 =	vimm.f32 $-Inf;
	v4 =	vmax.f32 v3, v5;
	v6 =	vmax.f32 v3, v6  }
0x13f: {  	s7 =	sadd.s32 $0xFFFFFFFF, s7;
	p0 =	por $0x1, $0x1;
	v5 =	vld [tilespmem:s4+$0x30];
	v7 =	vmax.f32 v3, v7;
	v9 =	vmax.f32 v3, v8;
	v8 =	vimm.f32 $-Inf  }
.LBB2_13:
0x140: {  	p1 =	sne.s32 s7, $0x1;
	v17 =	vld [tilespmem:s4+$0xFFFFFFD0];
	v8 =	vmax.f32 v8, v10  }
0x141: {  	v18 =	vld [tilespmem:s4+$0xFFFFFFE0];
	v13 =	vmax.f32 v13, v11  }
0x142: {  	v19 =	vld [tilespmem:s4+$0xFFFFFFF0];
	v15 =	vmax.f32 v15, v12  }
.Ltmp11:
0x143: {  	v10 =	vld [tilespmem:s4+$0x0];
	v16 =	vmax.f32 v16, v14;
	(pc) =	sbr.rel @p1 .LBB2_13-.Ltmp11, $4  }
0x144: {  	v11 =	vld [tilespmem:s4+$0x10];
	v4 =	vmax.f32 v4, v5  }
0x145: {  	v6 =	vmax.f32 v6, v17;
	v12 =	vld [tilespmem:s4+$0x20]  }
0x146: {  	v14 =	vld [tilespmem:s4+$0xFFFFFFC0];
	v7 =	vmax.f32 v7, v18;
	s4 =	sadd.s32 $0x80, s4  }
0x147: {  	s7 =	sadd.s32 $0xFFFFFFFF, s7;
	v5 =	vld [tilespmem:s4+$0x30];
	v9 =	vmax.f32 v9, v19  }
.LBB2_14:
0x148: {  	v17 =	vld [tilespmem:s4+$0xFFFFFFD0]  }
0x149: {  	v18 =	vld [tilespmem:s4+$0xFFFFFFE0]  }
0x14a: {  	v19 =	vld [tilespmem:s4+$0xFFFFFFF0]  }
0x14b: {  	v20 =	vld [tilespmem:s4+$0x0]  }
0x14c: {  	v21 =	vld [tilespmem:s4+$0x10]  }
0x14d: {  	v22 =	vld [tilespmem:s4+$0x20]  }
0x14e: {  	v10 =	vmax.f32 @p0 v8, v10;
	v23 =	vld [tilespmem:s4+$0xFFFFFFC0]  }
.Ltmp12:
0x14f: {  	v11 =	vmax.f32 @p0 v13, v11;
	v12 =	vmax.f32 @p0 v15, v12;
	v13 =	vmax.f32 @p0 v16, v14;
	(pc) =	sbr.rel .LBB2_15-.Ltmp12, $4  }
0x150: {  	v4 =	vmax.f32 v4, v5;
	v63 =	vpsel p0, v13, v3;
	v8 =	vmax.f32 v6, v17  }
0x151: {  	v6 =	vmax.f32 v7, v18;
	v5 =	vmax.f32 v9, v19;
	v7 =	vpsel p0, v10, v3  }
0x152: {  	v10 =	vpsel p0, v11, v3;
	v11 =	vpsel p0, v12, v3;
	v9 =	vmax.f32 v7, v20  }
0x153: {  	v7 =	vmax.f32 v10, v21;
	v3 =	vmax.f32 v11, v22;
	v10 =	vmax.f32 v63, v23  }
.LBB2_10:
.Ltmp13:
0x154: {  	(pc) =	sbr.rel .LBB2_14-.Ltmp13, $4  }
0x155: {  	_ = 	snop  }
0x156: {  	v8 =	vimm.f32 $-Inf;
	v13 =	vimm.f32 $-Inf  }
0x157: {  	v15 =	vimm.f32 $-Inf;
	v16 =	vimm.f32 $-Inf;
	v4 =	vimm.f32 $-Inf  }
0x158: {  	v6 =	vimm.f32 $-Inf;
	v7 =	vimm.f32 $-Inf;
	v9 =	vimm.f32 $-Inf  }
.LBB2_12:
.Ltmp14:
0x159: {  	(pc) =	sbr.rel .LBB2_14-.Ltmp14, $3  }
0x15a: {  	_ =	sdelay $0x1  }
0x15b: {  	v8 =	vimm.f32 $-Inf  }
0x15c: {  	v13 =	vimm.f32 $-Inf;
	v15 =	vimm.f32 $-Inf;
	v16 =	vimm.f32 $-Inf  }
.LBB2_16:
0x15d: {  	p0 =	slt.s32 s18, $0x1  }
.Ltmp15:
0x15e: {  	_ = 	snop;
	(pc) =	sbr.rel @p0 .LBB2_17-.Ltmp15, $4  }
0x15f: {  	_ = 	snop  }
0x160: {  	_ =	swait.ge [sflag:s28], $0x2000  }
0x161: {  	[sflag:s28] =	ssyncset.done $0x0  }
0x162: {  	[sflag:s28] =	ssyncadd.s32 $0xFFFFE000  }
0x163: {  	s4 =	sadd.s32 $0x80000000, s19  }
0x164: {  	p0 =	slt.s32 s4, $0x40  }
0x165: {  	s4 =	simm.s32 @!p0 $0x40  }
0x166: {  	p1 =	sne.s32 s4, $0x1  }
.Ltmp16:
0x167: {  	_ = 	snop;
	(pc) =	sbr.rel @!p1 .LBB2_19-.Ltmp16, $3  }
0x168: {  	_ =	sdelay $0x1  }
0x169: {  	s1 =	simm.s32 $0x7970  }
0x16a: {  	v3 =	vimm.f32 $-Inf;
	v5 =	vld [tilespmem:s1+$0x0];
	p0 =	por $0x0, $0x0;
	s4 =	sadd.s32 $0xFFFFFFFF, s4  }
0x16b: {  	v6 =	vld [tilespmem:s1+$0xFFFFFFA0]  }
0x16c: {  	v7 =	vld [tilespmem:s1+$0xFFFFFFB0]  }
0x16d: {  	v8 =	vld [tilespmem:s1+$0xFFFFFFC0];
	p1 =	sne.s32 s4, $0x1  }
.Ltmp17:
0x16e: {  	v10 =	vld [tilespmem:s1+$0xFFFFFFD0];
	(pc) =	sbr.rel @!p1 .LBB2_21-.Ltmp17, $4  }
0x16f: {  	v11 =	vld [tilespmem:s1+$0xFFFFFFE0]  }
0x170: {  	v12 =	vld [tilespmem:s1+$0xFFFFFFF0];
	v13 =	vimm.f32 $-Inf;
	v15 =	vimm.f32 $-Inf  }
0x171: {  	v14 =	vld [tilespmem:s1+$0xFFFFFF90];
	s1 =	simm.s32 $0x79F0;
	v16 =	vimm.f32 $-Inf;
	v4 =	vmax.f32 v3, v5;
	v6 =	vmax.f32 v3, v6  }
0x172: {  	s4 =	sadd.s32 $0xFFFFFFFF, s4;
	p0 =	por $0x1, $0x1;
	v5 =	vld [tilespmem:s1+$0x0];
	v7 =	vmax.f32 v3, v7;
	v9 =	vmax.f32 v3, v8;
	v8 =	vimm.f32 $-Inf  }
.LBB2_22:
0x173: {  	p1 =	sne.s32 s4, $0x1;
	v17 =	vld [tilespmem:s1+$0xFFFFFFA0];
	v8 =	vmax.f32 v8, v10  }
0x174: {  	v18 =	vld [tilespmem:s1+$0xFFFFFFB0];
	v13 =	vmax.f32 v13, v11  }
0x175: {  	v19 =	vld [tilespmem:s1+$0xFFFFFFC0];
	v15 =	vmax.f32 v15, v12  }
.Ltmp18:
0x176: {  	v10 =	vld [tilespmem:s1+$0xFFFFFFD0];
	v16 =	vmax.f32 v16, v14;
	(pc) =	sbr.rel @p1 .LBB2_22-.Ltmp18, $4  }
0x177: {  	v11 =	vld [tilespmem:s1+$0xFFFFFFE0];
	v4 =	vmax.f32 v4, v5  }
0x178: {  	v6 =	vmax.f32 v6, v17;
	v12 =	vld [tilespmem:s1+$0xFFFFFFF0]  }
0x179: {  	v14 =	vld [tilespmem:s1+$0xFFFFFF90];
	v7 =	vmax.f32 v7, v18;
	s1 =	sadd.s32 $0x80, s1  }
0x17a: {  	s4 =	sadd.s32 $0xFFFFFFFF, s4;
	v5 =	vld [tilespmem:s1+$0x0];
	v9 =	vmax.f32 v9, v19  }
.LBB2_23:
0x17b: {  	v17 =	vld [tilespmem:s1+$0xFFFFFFA0]  }
0x17c: {  	v18 =	vld [tilespmem:s1+$0xFFFFFFB0]  }
0x17d: {  	v19 =	vld [tilespmem:s1+$0xFFFFFFC0]  }
0x17e: {  	v20 =	vld [tilespmem:s1+$0xFFFFFFD0]  }
0x17f: {  	v21 =	vld [tilespmem:s1+$0xFFFFFFE0]  }
0x180: {  	v22 =	vld [tilespmem:s1+$0xFFFFFFF0]  }
0x181: {  	v10 =	vmax.f32 @p0 v8, v10;
	v23 =	vld [tilespmem:s1+$0xFFFFFF90]  }
.Ltmp19:
0x182: {  	v11 =	vmax.f32 @p0 v13, v11;
	v12 =	vmax.f32 @p0 v15, v12;
	v13 =	vmax.f32 @p0 v16, v14;
	(pc) =	sbr.rel .LBB2_24-.Ltmp19, $4  }
0x183: {  	v4 =	vmax.f32 v4, v5;
	v63 =	vpsel p0, v13, v3;
	v8 =	vmax.f32 v6, v17  }
0x184: {  	v6 =	vmax.f32 v7, v18;
	v5 =	vmax.f32 v9, v19;
	v7 =	vpsel p0, v10, v3  }
0x185: {  	v10 =	vpsel p0, v11, v3;
	v11 =	vpsel p0, v12, v3;
	v9 =	vmax.f32 v7, v20  }
0x186: {  	v7 =	vmax.f32 v10, v21;
	v3 =	vmax.f32 v11, v22;
	v10 =	vmax.f32 v63, v23  }
.LBB2_19:
.Ltmp20:
0x187: {  	(pc) =	sbr.rel .LBB2_23-.Ltmp20, $4  }
0x188: {  	_ = 	snop  }
0x189: {  	v8 =	vimm.f32 $-Inf;
	v13 =	vimm.f32 $-Inf  }
0x18a: {  	v15 =	vimm.f32 $-Inf;
	v16 =	vimm.f32 $-Inf;
	v4 =	vimm.f32 $-Inf  }
0x18b: {  	v6 =	vimm.f32 $-Inf;
	v7 =	vimm.f32 $-Inf;
	v9 =	vimm.f32 $-Inf  }
.LBB2_21:
.Ltmp21:
0x18c: {  	(pc) =	sbr.rel .LBB2_23-.Ltmp21, $3  }
0x18d: {  	_ =	sdelay $0x1  }
0x18e: {  	v8 =	vimm.f32 $-Inf  }
0x18f: {  	v13 =	vimm.f32 $-Inf;
	v15 =	vimm.f32 $-Inf;
	v16 =	vimm.f32 $-Inf  }
.LBB2_26:
0x190: {  	_ =	sfence.sel $0x180000  }
0x191: {  	[bflag:$0x0] =	sbarrier.arrive $0xFFFF  }
0x192: {  	_ =	strace $0x90000047  }
0x193: {  	s0 =	stileid.u32;
	[bflag:$0x2] =	sbarrier.arrive $0xFFFF  }
0x194: {  	p0 =	sne.s32 s0, $0x0;
	s0 =	rddreg [dreg:$0x2]  }
0x195: {  	s0 =	sadd.s32 @!p0 $0x100000, s0  }
0x196: {  	[sflag:s0] =	ssyncadd.tile.s32 @!p0 $0x1;
	_ =	shalt  }
.Lfunc_end2:
_tile_overlayer_lowered:
.L_overlay_start_2:
0x197: {  	(tag) =	ssettag $0x2  }
0x198: {  	s0 =	rddreg [dreg:$0x0];
	s2 =	stileid.u32  }
0x199: {  	s1 =	rddreg [dreg:$0x1];
	p0 =	sne.s32 s2, $0x0  }
0x19a: {  	s3 =	rddreg [dreg:$0x2];
	[bflag:$0x3] =	sbarrier.arrive $0xFFFF;
	s2 =	simm.s32 @!p0 $0x1C02  }
0x19b: {  	[timem:s3], [sflag:s2] =	dma.local @!p0 [hbm:s0], s1  }
0x19c: {  	s0 =	simm.s32 @!p0 $0x2  }
0x19d: {  	_ =	swait.ge @!p0 [sflag:s0], s1  }
0x19e: {  	s1 =	ssub.s32 @!p0 $0x0, s1;
	[sflag:s0] =	ssyncset.done @!p0 $0x0  }
0x19f: {  	[sflag:s0] =	ssyncadd.s32 @!p0 s1  }
0x1a0: {  	[bflag:$0x3] =	sbarrier.arrive $0xFFFF  }
0x1a1: {  	_ =	shalt  }

</sc_bundles>
